<compile_context>
chip_gen: v7x
topology: tpu7x:2x2x1
jax: 0.10.2.dev20260603
libtpu: 0.0.44.dev20260713+nightly
codegen_flags: <defaults>
</compile_context>

<pallas_src>
import jax
import jax.numpy as jnp
from jax import lax
from jax.experimental import pallas as pl
from jax.experimental.pallas import tpu as pltpu
from jax.experimental.pallas import tpu_sc as plsc

N = 10000
E = 320000
EL = 65536
D = 128
NC, NS = 2, 16
NW = NC * NS
C = 128

N_PAD = 10240
ROWS_PER_TILE = N_PAD // NS
DEG_PAD = 10240
DEG_PER_TILE = DEG_PAD // NS

E_PER_TILE = E // NW
FULL_CHUNKS = E_PER_TILE // C
TAIL = E_PER_TILE - FULL_CHUNKS * C

_MESH = plsc.VectorSubcoreMesh(core_axis_name="c", subcore_axis_name="s")
_ZROWS = 128


def _make_agg(compute_deg):
    scratch = [
        pltpu.VMEM((E_PER_TILE,), jnp.int32),
        pltpu.VMEM((C, D), jnp.float32),
        pltpu.VMEM((C, D), jnp.float32),
        pltpu.VMEM((C,), jnp.int32),
        pltpu.VMEM((C,), jnp.int32),
        pltpu.VMEM((TAIL,), jnp.int32),
        pltpu.VMEM_SHARED((N_PAD, D), jnp.float32),
        pltpu.SemaphoreType.DMA,
        pltpu.SemaphoreType.DMA,
        pltpu.SemaphoreType.DMA,
        pltpu.SemaphoreType.DMA,
    ]
    if compute_deg:
        scratch += [
            pltpu.VMEM((C,), jnp.float32),
            pltpu.VMEM_SHARED((DEG_PAD,), jnp.float32),
        ]
        out_type = (
            jax.ShapeDtypeStruct((NC, N_PAD, D), jnp.float32),
            jax.ShapeDtypeStruct((NC, DEG_PAD), jnp.float32),
        )
    else:
        out_type = jax.ShapeDtypeStruct((NC, N_PAD, D), jnp.float32)

    def body(h, ei_flat, zrows, *rest):
        if compute_deg:
            (zdeg, ones_h, out_agg, out_deg, src_all, rows0, rows1, dstbuf0,
             dstbuf1, tail_dst, agg_sh, gsem0, gsem1, dsem0, dsem1,
             ones_v, deg_sh) = rest
        else:
            (out_agg, src_all, rows0, rows1, dstbuf0, dstbuf1, tail_dst,
             agg_sh, gsem0, gsem1, dsem0, dsem1) = rest
        c = lax.axis_index("c")
        s = lax.axis_index("s")
        wid = s * NC + c
        base = wid * E_PER_TILE

        pltpu.sync_copy(ei_flat.at[pl.ds(base, E_PER_TILE)], src_all)
        pltpu.sync_copy(zrows, agg_sh.at[pl.ds(s * ROWS_PER_TILE, ROWS_PER_TILE)])
        if compute_deg:
            pltpu.sync_copy(zdeg, deg_sh.at[pl.ds(s * DEG_PER_TILE, DEG_PER_TILE)])
            pltpu.sync_copy(ones_h, ones_v)
        plsc.subcore_barrier()

        def issue_front(rows, dbuf, gsem, dsem, k):
            pltpu.async_copy(ei_flat.at[pl.ds(E + base + k * C, C)], dbuf, dsem)
            pltpu.async_copy(h.at[src_all.at[pl.ds(k * C, C)]], rows, gsem)

        def wait_front(rows, dbuf, gsem, dsem):
            pltpu.make_async_copy(ei_flat.at[pl.ds(E, C)], dbuf, dsem).wait()
            pltpu.make_async_copy(h.at[src_all.at[pl.ds(0, C)]], rows, gsem).wait()

        def do_scatter(rows, dbuf):
            pltpu.sync_copy(rows, agg_sh.at[dbuf], add=True)
            if compute_deg:
                pltpu.sync_copy(ones_v, deg_sh.at[dbuf], add=True)

        issue_front(rows0, dstbuf0, gsem0, dsem0, 0)
        issue_front(rows1, dstbuf1, gsem1, dsem1, 1)

        def pair(i, _):
            wait_front(rows0, dstbuf0, gsem0, dsem0)
            do_scatter(rows0, dstbuf0)

            @pl.when(i < FULL_CHUNKS // 2 - 1)
            def _():
                issue_front(rows0, dstbuf0, gsem0, dsem0, 2 * i + 2)
            wait_front(rows1, dstbuf1, gsem1, dsem1)
            do_scatter(rows1, dstbuf1)

            @pl.when(i < FULL_CHUNKS // 2 - 1)
            def _():
                issue_front(rows1, dstbuf1, gsem1, dsem1, 2 * i + 3)
            return 0
        lax.fori_loop(0, FULL_CHUNKS // 2, pair, 0)

        pltpu.sync_copy(
            ei_flat.at[pl.ds(E + base + FULL_CHUNKS * C, TAIL)], tail_dst)
        pltpu.async_copy(
            h.at[src_all.at[pl.ds(FULL_CHUNKS * C, TAIL)]],
            rows0.at[pl.ds(0, TAIL)], gsem0).wait()
        pltpu.sync_copy(rows0.at[pl.ds(0, TAIL)], agg_sh.at[tail_dst], add=True)
        if compute_deg:
            pltpu.sync_copy(ones_v.at[pl.ds(0, TAIL)], deg_sh.at[tail_dst], add=True)

        plsc.subcore_barrier()

        pltpu.sync_copy(
            agg_sh.at[pl.ds(s * ROWS_PER_TILE, ROWS_PER_TILE)],
            out_agg.at[c, pl.ds(s * ROWS_PER_TILE, ROWS_PER_TILE)])
        if compute_deg:
            pltpu.sync_copy(
                deg_sh.at[pl.ds(s * DEG_PER_TILE, DEG_PER_TILE)],
                out_deg.at[c, pl.ds(s * DEG_PER_TILE, DEG_PER_TILE)])

    return pl.kernel(body, out_type=out_type, mesh=_MESH, scratch_types=scratch)


_agg_with_deg = _make_agg(True)
_agg = _make_agg(False)

_G_TOTAL = 2 * EL
_G_PER_TILE = _G_TOTAL // NW
_G_CHUNKS = _G_PER_TILE // C


def _gather_body(h, idx, out, idx_all, rows0, rows1, sem0, sem1):
    c = lax.axis_index("c")
    s = lax.axis_index("s")
    wid = s * NC + c
    base = wid * _G_PER_TILE
    pltpu.sync_copy(idx.at[pl.ds(base, _G_PER_TILE)], idx_all)

    def issue(rows, sem, k):
        pltpu.async_copy(h.at[idx_all.at[pl.ds(k * C, C)]], rows, sem)

    def wait_g(rows, sem):
        pltpu.make_async_copy(h.at[idx_all.at[pl.ds(0, C)]], rows, sem).wait()

    def issue_w(rows, wsem, k):
        pltpu.async_copy(rows, out.at[pl.ds(base + k * C, C)], wsem)

    def wait_w(rows, wsem):
        pltpu.make_async_copy(rows, out.at[pl.ds(base, C)], wsem).wait()

    issue(rows0, sem0, 0)
    issue(rows1, sem1, 1)

    def pair(i, _):
        wait_g(rows0, sem0)
        pltpu.sync_copy(rows0, out.at[pl.ds(base + 2 * i * C, C)])

        @pl.when(i < _G_CHUNKS // 2 - 1)
        def _():
            issue(rows0, sem0, 2 * i + 2)
        wait_g(rows1, sem1)
        pltpu.sync_copy(rows1, out.at[pl.ds(base + (2 * i + 1) * C, C)])

        @pl.when(i < _G_CHUNKS // 2 - 1)
        def _():
            issue(rows1, sem1, 2 * i + 3)
        return 0
    lax.fori_loop(0, _G_CHUNKS // 2, pair, 0)


_gather = pl.kernel(
    _gather_body,
    out_type=jax.ShapeDtypeStruct((_G_TOTAL, D), jnp.float32),
    mesh=_MESH,
    scratch_types=[
        pltpu.VMEM((_G_PER_TILE,), jnp.int32),
        pltpu.VMEM((C, D), jnp.float32),
        pltpu.VMEM((C, D), jnp.float32),
        pltpu.SemaphoreType.DMA,
        pltpu.SemaphoreType.DMA,
    ],
)



def _bdot(a, b):
    return jnp.dot(a.astype(jnp.bfloat16), b.astype(jnp.bfloat16),
                   preferred_element_type=jnp.float32)


def _pre_body(x_ref, w_ref, b_ref, g_ref, bb_ref, a_ref, o_ref):
    h = _bdot(x_ref[...], w_ref[...])
    h = h + b_ref[...]
    mu = jnp.mean(h, axis=0, keepdims=True)
    var = jnp.mean((h - mu) * (h - mu), axis=0, keepdims=True)
    hn = (h - mu) * lax.rsqrt(var + 1e-5) * g_ref[...] + bb_ref[...]
    o_ref[...] = jnp.where(hn >= 0.0, hn, a_ref[0, 0] * hn)


def _pre(x, W_in, b_in, g, bb, a):
    return pl.pallas_call(
        _pre_body,
        out_shape=jax.ShapeDtypeStruct((N, D), jnp.float32),
    )(x, W_in, b_in, g, bb, a)


_LB = 1000


def _layer_body(aggp_ref, degp_ref, h_ref, wc_ref, bc_ref, wih_ref, bih_ref,
                whh_ref, bhh_ref, o_ref):
    d = degp_ref[0] + degp_ref[1]
    invd = 1.0 / jnp.maximum(d, 1.0)
    agg = (aggp_ref[0] + aggp_ref[1]) * invd
    m = _bdot(agg, wc_ref[0]) + bc_ref[0]
    gi = _bdot(m, wih_ref[0]) + bih_ref[0]
    hprev = h_ref[0]
    gh = _bdot(hprev, whh_ref[0]) + bhh_ref[0]
    r = jax.nn.sigmoid(gi[:, :D] + gh[:, :D])
    z = jax.nn.sigmoid(gi[:, D:2 * D] + gh[:, D:2 * D])
    n = jnp.tanh(gi[:, 2 * D:] + r * gh[:, 2 * D:])
    o_ref[...] = (1.0 - z) * n + z * hprev


def _layer(aggp, degp, H_list, W_conv, b_conv, W_ih, b_ih, W_hh, b_hh, layer):
    grid = (N // _LB,)
    return pl.pallas_call(
        _layer_body,
        grid=grid,
        in_specs=[
            pl.BlockSpec((NC, _LB, D), lambda i: (0, i, 0)),
            pl.BlockSpec((NC, _LB, 1), lambda i: (0, i, 0)),
            pl.BlockSpec((1, _LB, D), lambda i: (layer, i, 0)),
            pl.BlockSpec((1, D, D), lambda i: (layer, 0, 0)),
            pl.BlockSpec((1, 1, D), lambda i: (layer, 0, 0)),
            pl.BlockSpec((1, D, 3 * D), lambda i: (layer, 0, 0)),
            pl.BlockSpec((1, 1, 3 * D), lambda i: (layer, 0, 0)),
            pl.BlockSpec((1, D, 3 * D), lambda i: (layer, 0, 0)),
            pl.BlockSpec((1, 1, 3 * D), lambda i: (layer, 0, 0)),
        ],
        out_specs=pl.BlockSpec((_LB, D), lambda i: (i, 0)),
        out_shape=jax.ShapeDtypeStruct((N, D), jnp.float32),
    )(aggp, degp, H_list, W_conv, b_conv.reshape(2, 1, D),
      W_ih, b_ih.reshape(2, 1, 3 * D), W_hh, b_hh.reshape(2, 1, 3 * D))


_DB = 8192


def _dec_body(hs_ref, hd_ref, w1a_ref, w1b_ref, b1_ref, w2_ref, b2_ref, o_ref):
    e = (_bdot(hs_ref[...], w1a_ref[...]) + _bdot(hd_ref[...], w1b_ref[...])
         + b1_ref[...])
    e = jnp.maximum(e, 0.0)
    o_ref[...] = _bdot(e, w2_ref[...]) + b2_ref[...]


def _dec(gath, W_d1, b1, W2, b2):
    grid = (EL // _DB,)
    return pl.pallas_call(
        _dec_body,
        grid=grid,
        in_specs=[
            pl.BlockSpec((_DB, D), lambda i: (i, 0)),
            pl.BlockSpec((_DB, D), lambda i: (i + EL // _DB, 0)),
            pl.BlockSpec((D, D), lambda i: (0, 0)),
            pl.BlockSpec((D, D), lambda i: (1, 0)),
            pl.BlockSpec((1, D), lambda i: (0, 0)),
            pl.BlockSpec((D, 1), lambda i: (0, 0)),
            pl.BlockSpec((1, 1), lambda i: (0, 0)),
        ],
        out_specs=pl.BlockSpec((_DB, 1), lambda i: (i, 0)),
        out_shape=jax.ShapeDtypeStruct((EL, 1), jnp.float32),
    )(gath, gath, W_d1, W_d1, b1, W2, b2)


def kernel(x, edge_index, edge_label_index, H_list, W_in, b_in, bn_gamma,
           bn_beta, prelu_a, W_conv, b_conv, W_ih, W_hh, b_ih, b_hh, W_d1,
           b_d1, W_d2, b_d2):
    ei_flat = edge_index.reshape(2 * E)
    h = _pre(x, W_in, b_in.reshape(1, D), bn_gamma.reshape(1, D),
             bn_beta.reshape(1, D), prelu_a.reshape(1, 1))

    zrows = jnp.zeros((ROWS_PER_TILE, D), jnp.float32)
    zdeg = jnp.zeros((DEG_PER_TILE,), jnp.float32)
    ones_h = jnp.ones((C,), jnp.float32)

    aggp, degp = _agg_with_deg(h, ei_flat, zrows, zdeg, ones_h)
    degp_r = degp.reshape(NC, DEG_PAD, 1)

    h = _layer(aggp, degp_r, H_list, W_conv, b_conv, W_ih, b_ih, W_hh,
               b_hh, 0)

    aggp2 = _agg(h, ei_flat, zrows)
    h = _layer(aggp2, degp_r, H_list, W_conv, b_conv, W_ih, b_ih, W_hh,
               b_hh, 1)

    gath = _gather(h, edge_label_index.reshape(_G_TOTAL))

    return _dec(gath, W_d1, b_d1.reshape(1, D), W_d2, b_d2.reshape(1, 1))

# --- scband reference (transcript-rebuilt; emitter-appended) ---
"""Pipeline reference for scband-roland-63213328662713 (READ-ONLY COPY).

The authoritative reference and input builder live on the scoring server;
editing this copy changes nothing except your own understanding.
"""

import jax, jax.numpy as jnp
import numpy as np

N = 10000
E = 320000
EL = 65536
DIN = 128
HID = 128
DOUT = 1
NLAYER = 2

def setup_inputs(seed: int = 0):
    key = jax.random.key(seed)
    ks = jax.random.split(key, 16)
    s = 0.05
    inp = {}
    inp['x'] = jax.random.normal(ks[0], (N, DIN), jnp.float32)
    inp['edge_index'] = jax.random.randint(ks[1], (2, E), 0, N, jnp.int32)
    inp['edge_label_index'] = jax.random.randint(ks[2], (2, EL), 0, N, jnp.int32)
    inp['H_list'] = jax.random.normal(ks[3], (NLAYER, N, HID), jnp.float32)
    inp['W_in'] = jax.random.normal(ks[4], (DIN, HID), jnp.float32) * s
    inp['b_in'] = jnp.zeros((HID,), jnp.float32)
    inp['bn_gamma'] = jnp.ones((HID,), jnp.float32)
    inp['bn_beta'] = jnp.zeros((HID,), jnp.float32)
    inp['prelu_a'] = jnp.array(0.25, jnp.float32)
    inp['W_conv'] = jax.random.normal(ks[5], (NLAYER, HID, HID), jnp.float32) * s
    inp['b_conv'] = jnp.zeros((NLAYER, HID), jnp.float32)
    inp['W_ih'] = jax.random.normal(ks[6], (NLAYER, HID, 3 * HID), jnp.float32) * s
    inp['W_hh'] = jax.random.normal(ks[7], (NLAYER, HID, 3 * HID), jnp.float32) * s
    inp['b_ih'] = jnp.zeros((NLAYER, 3 * HID), jnp.float32)
    inp['b_hh'] = jnp.zeros((NLAYER, 3 * HID), jnp.float32)
    inp['W_d1'] = jax.random.normal(ks[8], (2 * HID, HID), jnp.float32) * s
    inp['b_d1'] = jnp.zeros((HID,), jnp.float32)
    inp['W_d2'] = jax.random.normal(ks[9], (HID, DOUT), jnp.float32) * s
    inp['b_d2'] = jnp.zeros((DOUT,), jnp.float32)
    return inp

def _forward(x, H_list, W_in, b_in, bn_gamma, bn_beta, prelu_a, W_conv, b_conv, W_ih, W_hh, b_ih, b_hh, W_d1, b_d1, W_d2, b_d2, edge_index, edge_label_index):
    # mlp_transform: Linear -> BatchNorm1d (batch stats) -> PReLU
    h = x @ W_in + b_in
    mu = jnp.mean(h, axis=0)
    var = jnp.var(h, axis=0)
    h = (h - mu) / jnp.sqrt(var + 1e-5) * bn_gamma + bn_beta
    h = jnp.where(h >= 0, h, prelu_a * h)
    src = edge_index[0]
    dst = edge_index[1]
    deg = jnp.zeros((N,), jnp.float32).at[dst].add(1.0)
    deg = jnp.maximum(deg, 1.0)
    for i in range(NLAYER):
        # RolandLayer: mean-aggregation graph conv + GRU update with previous state H_list[i]
        msg = h[src]
        agg = jnp.zeros((N, HID), jnp.float32).at[dst].add(msg) / deg[:, None]
        m = agg @ W_conv[i] + b_conv[i]
        gi = m @ W_ih[i] + b_ih[i]
        gh = H_list[i] @ W_hh[i] + b_hh[i]
        i_r, i_z, i_n = jnp.split(gi, 3, axis=1)
        h_r, h_z, h_n = jnp.split(gh, 3, axis=1)
        r = jax.nn.sigmoid(i_r + h_r)
        z = jax.nn.sigmoid(i_z + h_z)
        n = jnp.tanh(i_n + r * h_n)
        h = (1.0 - z) * n + z * H_list[i]
    # LinkDecoder: gather endpoint embeddings, concat, 2-layer MLP -> score
    hs = h[edge_label_index[0]]
    hd = h[edge_label_index[1]]
    e = jnp.concatenate([hs, hd], axis=1)
    e = jax.nn.relu(e @ W_d1 + b_d1)
    return e @ W_d2 + b_d2

def reference(x, edge_index, edge_label_index, H_list, W_in, b_in, bn_gamma, bn_beta, prelu_a, W_conv, b_conv, W_ih, W_hh, b_ih, b_hh, W_d1, b_d1, W_d2, b_d2):
    return _forward(x, H_list, W_in, b_in, bn_gamma, bn_beta, prelu_a, W_conv, b_conv, W_ih, W_hh, b_ih, b_hh, W_d1, b_d1, W_d2, b_d2, edge_index, edge_label_index)

if __name__ == "__main__":
    import jax
    _d = setup_inputs()
    print(jax.jit(kernel)(*tuple(_d.values())))

</pallas_src>

<mosaic_0001>
#map = affine_map<(d0, d1) -> (0, 0)>
#map1 = affine_map<(d0, d1) -> (0)>
module attributes {stable_mosaic.version = 14 : i64} {
  func.func @_gather_body(%arg0: i32, %arg1: i32, %arg2: memref<10000x128xf32, #tpu.memory_space<hbm>>, %arg3: memref<131072xi32, #tpu.memory_space<hbm>>, %arg4: memref<131072x128xf32, #tpu.memory_space<hbm>>, %arg5: memref<4096xi32, #tpu.memory_space<vmem>>, %arg6: memref<128x128xf32, #tpu.memory_space<vmem>>, %arg7: memref<128x128xf32, #tpu.memory_space<vmem>>, %arg8: memref<!tpu.dma_semaphore, #tpu.memory_space<semaphore_mem>>, %arg9: memref<!tpu.dma_semaphore, #tpu.memory_space<semaphore_mem>>) attributes {dimension_semantics = [#tpu.dimension_semantics<core_parallel>, #tpu.dimension_semantics<subcore_parallel>], iteration_bounds = array<i64: 2, 16>, scalar_prefetch = 0 : i64, scratch_operands = 5 : i64, tpu.core_type = #tpu.core_type<sc_vector_subcore>, window_params = [{transform_indices = #map}, {transform_indices = #map1}, {transform_indices = #map}]} {
    %mul3A = arith.constant 2 : i32
    %mul3A_0 = arith.muli %arg1, %mul3A : i32
    %add3A = arith.addi %mul3A_0, %arg0 : i32
    %mul3A_1 = arith.constant 4096 : i32
    %mul3A_2 = arith.muli %add3A, %mul3A_1 : i32
    "tpu.region"() ({
      %run_scoped3A = tpu.sem_alloc : memref<!tpu.dma_semaphore, #tpu.memory_space<semaphore_mem>>
      %dma_start3A_18 = tpu.memref_slice %arg3[%mul3A_2] : memref<131072xi32, #tpu.memory_space<hbm>> -> memref<4096xi32, #tpu.memory_space<hbm>>
      %dma_start3A_19 = tpu.memref_slice %arg3[%mul3A_2] : memref<131072xi32, #tpu.memory_space<hbm>> -> memref<4096xi32, #tpu.memory_space<hbm>>
      tpu.enqueue_dma source(%dma_start3A_19 : memref<4096xi32, #tpu.memory_space<hbm>>) target(%arg5 : memref<4096xi32, #tpu.memory_space<vmem>>) target_semaphore(%run_scoped3A : memref<!tpu.dma_semaphore, #tpu.memory_space<semaphore_mem>>)
      %dma_wait3A = tpu.memref_slice %arg3[%mul3A_2] : memref<131072xi32, #tpu.memory_space<hbm>> -> memref<4096xi32, #tpu.memory_space<hbm>>
      %dma_wait3A_20 = tpu.memref_slice %arg3[%mul3A_2] : memref<131072xi32, #tpu.memory_space<hbm>> -> memref<4096xi32, #tpu.memory_space<hbm>>
      tpu.wait_dma2 semaphore(%run_scoped3A : memref<!tpu.dma_semaphore, #tpu.memory_space<semaphore_mem>>) src(%dma_wait3A_20 : memref<4096xi32, #tpu.memory_space<hbm>>) dst(%arg5 : memref<4096xi32, #tpu.memory_space<vmem>>)
      tpu.yield
    }) : () -> ()
    %dma_start3A = arith.constant 0 : i32
    %dma_start3A_3 = tpu.memref_slice %arg5[%dma_start3A] : memref<4096xi32, #tpu.memory_space<vmem>> -> memref<128xi32, #tpu.memory_space<vmem>>
    %dma_start3A_4 = arith.constant 0 : i32
    %dma_start3A_5 = arith.constant 0 : i32
    %dma_start3A_6 = tpu.memref_slice %arg2[%dma_start3A_4, %dma_start3A_5] : memref<10000x128xf32, #tpu.memory_space<hbm>> -> memref<10000x128xf32, #tpu.memory_space<hbm>>
    tpu.enqueue_indirect_dma source(%dma_start3A_6 : memref<10000x128xf32, #tpu.memory_space<hbm>>) target(%arg6 : memref<128x128xf32, #tpu.memory_space<vmem>>) offsets(%dma_start3A_3 : memref<128xi32, #tpu.memory_space<vmem>>) semaphore(%arg8 : memref<!tpu.dma_semaphore, #tpu.memory_space<semaphore_mem>>)
    %dma_start3A_7 = arith.constant 128 : i32
    %dma_start3A_8 = tpu.memref_slice %arg5[%dma_start3A_7] : memref<4096xi32, #tpu.memory_space<vmem>> -> memref<128xi32, #tpu.memory_space<vmem>>
    %dma_start3A_9 = arith.constant 0 : i32
    %dma_start3A_10 = arith.constant 0 : i32
    %dma_start3A_11 = tpu.memref_slice %arg2[%dma_start3A_9, %dma_start3A_10] : memref<10000x128xf32, #tpu.memory_space<hbm>> -> memref<10000x128xf32, #tpu.memory_space<hbm>>
    tpu.enqueue_indirect_dma source(%dma_start3A_11 : memref<10000x128xf32, #tpu.memory_space<hbm>>) target(%arg7 : memref<128x128xf32, #tpu.memory_space<vmem>>) offsets(%dma_start3A_8 : memref<128xi32, #tpu.memory_space<vmem>>) semaphore(%arg9 : memref<!tpu.dma_semaphore, #tpu.memory_space<semaphore_mem>>)
    %scan3A = arith.constant 0 : i32
    %scan3A_12 = arith.constant 0 : i32
    %scan3A_13 = arith.constant 16 : i32
    %scan3A_14 = arith.addi %scan3A_12, %scan3A_13 : i32
    %scan3A_15 = arith.constant 1 : i32
    %scan3A_16 = scf.for %scan3A_18 = %scan3A_12 to %scan3A_14 step %scan3A_15 iter_args(%scan3A_19 = %scan3A) -> (i32)  : i32 {
      %dma_wait3A = arith.constant 0 : i32
      %dma_wait3A_20 = tpu.memref_slice %arg5[%dma_wait3A] : memref<4096xi32, #tpu.memory_space<vmem>> -> memref<128xi32, #tpu.memory_space<vmem>>
      %dma_wait3A_21 = arith.constant 0 : i32
      %dma_wait3A_22 = arith.constant 0 : i32
      %dma_wait3A_23 = tpu.memref_slice %arg2[%dma_wait3A_21, %dma_wait3A_22] : memref<10000x128xf32, #tpu.memory_space<hbm>> -> memref<10000x128xf32, #tpu.memory_space<hbm>>
      tpu.wait_indirect_dma semaphore(%arg8 : memref<!tpu.dma_semaphore, #tpu.memory_space<semaphore_mem>>) src(%dma_wait3A_23 : memref<10000x128xf32, #tpu.memory_space<hbm>>) dst(%arg6 : memref<128x128xf32, #tpu.memory_space<vmem>>)
      %mul3A_24 = arith.constant 2 : i32
      %mul3A_25 = arith.muli %mul3A_24, %scan3A_18 : i32
      %mul3A_26 = arith.constant 128 : i32
      %mul3A_27 = arith.muli %mul3A_25, %mul3A_26 : i32
      %add3A_28 = arith.addi %mul3A_2, %mul3A_27 : i32
      "tpu.region"() ({
        %run_scoped3A = tpu.sem_alloc : memref<!tpu.dma_semaphore, #tpu.memory_space<semaphore_mem>>
        %dma_start3A_49 = arith.constant 0 : i32
        %dma_start3A_50 = tpu.memref_slice %arg4[%add3A_28, %dma_start3A_49] : memref<131072x128xf32, #tpu.memory_space<hbm>> -> memref<128x128xf32, #tpu.memory_space<hbm>>
        %dma_start3A_51 = arith.constant 0 : i32
        %dma_start3A_52 = tpu.memref_slice %arg4[%add3A_28, %dma_start3A_51] : memref<131072x128xf32, #tpu.memory_space<hbm>> -> memref<128x128xf32, #tpu.memory_space<hbm>>
        tpu.enqueue_dma source(%arg6 : memref<128x128xf32, #tpu.memory_space<vmem>>) target(%dma_start3A_52 : memref<128x128xf32, #tpu.memory_space<hbm>>) target_semaphore(%run_scoped3A : memref<!tpu.dma_semaphore, #tpu.memory_space<semaphore_mem>>)
        %dma_wait3A_53 = arith.constant 0 : i32
        %dma_wait3A_54 = tpu.memref_slice %arg4[%add3A_28, %dma_wait3A_53] : memref<131072x128xf32, #tpu.memory_space<hbm>> -> memref<128x128xf32, #tpu.memory_space<hbm>>
        %dma_wait3A_55 = arith.constant 0 : i32
        %dma_wait3A_56 = tpu.memref_slice %arg4[%add3A_28, %dma_wait3A_55] : memref<131072x128xf32, #tpu.memory_space<hbm>> -> memref<128x128xf32, #tpu.memory_space<hbm>>
        tpu.wait_dma2 semaphore(%run_scoped3A : memref<!tpu.dma_semaphore, #tpu.memory_space<semaphore_mem>>) src(%arg6 : memref<128x128xf32, #tpu.memory_space<vmem>>) dst(%dma_wait3A_56 : memref<128x128xf32, #tpu.memory_space<hbm>>)
        tpu.yield
      }) : () -> ()
      %lt3A = arith.constant 15 : i32
      %lt3A_29 = arith.cmpi slt, %scan3A_18, %lt3A : i32
      %convert_element_type3A = arith.extui %lt3A_29 : i1 to i32
      %cond3A = arith.constant 0 : i32
      %cond3A_30 = arith.cmpi ne, %convert_element_type3A, %cond3A : i32
      scf.if %cond3A_30 {
        %mul3A_49 = arith.constant 2 : i32
        %mul3A_50 = arith.muli %mul3A_49, %scan3A_18 : i32
        %add3A_51 = arith.constant 2 : i32
        %add3A_52 = arith.addi %mul3A_50, %add3A_51 : i32
        %mul3A_53 = arith.constant 128 : i32
        %mul3A_54 = arith.muli %add3A_52, %mul3A_53 : i32
        %dma_start3A_55 = tpu.memref_slice %arg5[%mul3A_54] : memref<4096xi32, #tpu.memory_space<vmem>> -> memref<128xi32, #tpu.memory_space<vmem>>
        %dma_start3A_56 = arith.constant 0 : i32
        %dma_start3A_57 = arith.constant 0 : i32
        %dma_start3A_58 = tpu.memref_slice %arg2[%dma_start3A_56, %dma_start3A_57] : memref<10000x128xf32, #tpu.memory_space<hbm>> -> memref<10000x128xf32, #tpu.memory_space<hbm>>
        tpu.enqueue_indirect_dma source(%dma_start3A_58 : memref<10000x128xf32, #tpu.memory_space<hbm>>) target(%arg6 : memref<128x128xf32, #tpu.memory_space<vmem>>) offsets(%dma_start3A_55 : memref<128xi32, #tpu.memory_space<vmem>>) semaphore(%arg8 : memref<!tpu.dma_semaphore, #tpu.memory_space<semaphore_mem>>)
      } else {
      }
      %dma_wait3A_31 = arith.constant 0 : i32
      %dma_wait3A_32 = tpu.memref_slice %arg5[%dma_wait3A_31] : memref<4096xi32, #tpu.memory_space<vmem>> -> memref<128xi32, #tpu.memory_space<vmem>>
      %dma_wait3A_33 = arith.constant 0 : i32
      %dma_wait3A_34 = arith.constant 0 : i32
      %dma_wait3A_35 = tpu.memref_slice %arg2[%dma_wait3A_33, %dma_wait3A_34] : memref<10000x128xf32, #tpu.memory_space<hbm>> -> memref<10000x128xf32, #tpu.memory_space<hbm>>
      tpu.wait_indirect_dma semaphore(%arg9 : memref<!tpu.dma_semaphore, #tpu.memory_space<semaphore_mem>>) src(%dma_wait3A_35 : memref<10000x128xf32, #tpu.memory_space<hbm>>) dst(%arg7 : memref<128x128xf32, #tpu.memory_space<vmem>>)
      %mul3A_36 = arith.constant 2 : i32
      %mul3A_37 = arith.muli %mul3A_36, %scan3A_18 : i32
      %add3A_38 = arith.constant 1 : i32
      %add3A_39 = arith.addi %mul3A_37, %add3A_38 : i32
      %mul3A_40 = arith.constant 128 : i32
      %mul3A_41 = arith.muli %add3A_39, %mul3A_40 : i32
      %add3A_42 = arith.addi %mul3A_2, %mul3A_41 : i32
      "tpu.region"() ({
        %run_scoped3A = tpu.sem_alloc : memref<!tpu.dma_semaphore, #tpu.memory_space<semaphore_mem>>
        %dma_start3A_49 = arith.constant 0 : i32
        %dma_start3A_50 = tpu.memref_slice %arg4[%add3A_42, %dma_start3A_49] : memref<131072x128xf32, #tpu.memory_space<hbm>> -> memref<128x128xf32, #tpu.memory_space<hbm>>
        %dma_start3A_51 = arith.constant 0 : i32
        %dma_start3A_52 = tpu.memref_slice %arg4[%add3A_42, %dma_start3A_51] : memref<131072x128xf32, #tpu.memory_space<hbm>> -> memref<128x128xf32, #tpu.memory_space<hbm>>
        tpu.enqueue_dma source(%arg7 : memref<128x128xf32, #tpu.memory_space<vmem>>) target(%dma_start3A_52 : memref<128x128xf32, #tpu.memory_space<hbm>>) target_semaphore(%run_scoped3A : memref<!tpu.dma_semaphore, #tpu.memory_space<semaphore_mem>>)
        %dma_wait3A_53 = arith.constant 0 : i32
        %dma_wait3A_54 = tpu.memref_slice %arg4[%add3A_42, %dma_wait3A_53] : memref<131072x128xf32, #tpu.memory_space<hbm>> -> memref<128x128xf32, #tpu.memory_space<hbm>>
        %dma_wait3A_55 = arith.constant 0 : i32
        %dma_wait3A_56 = tpu.memref_slice %arg4[%add3A_42, %dma_wait3A_55] : memref<131072x128xf32, #tpu.memory_space<hbm>> -> memref<128x128xf32, #tpu.memory_space<hbm>>
        tpu.wait_dma2 semaphore(%run_scoped3A : memref<!tpu.dma_semaphore, #tpu.memory_space<semaphore_mem>>) src(%arg7 : memref<128x128xf32, #tpu.memory_space<vmem>>) dst(%dma_wait3A_56 : memref<128x128xf32, #tpu.memory_space<hbm>>)
        tpu.yield
      }) : () -> ()
      %lt3A_43 = arith.constant 15 : i32
      %lt3A_44 = arith.cmpi slt, %scan3A_18, %lt3A_43 : i32
      %convert_element_type3A_45 = arith.extui %lt3A_44 : i1 to i32
      %cond3A_46 = arith.constant 0 : i32
      %cond3A_47 = arith.cmpi ne, %convert_element_type3A_45, %cond3A_46 : i32
      scf.if %cond3A_47 {
        %mul3A_49 = arith.constant 2 : i32
        %mul3A_50 = arith.muli %mul3A_49, %scan3A_18 : i32
        %add3A_51 = arith.constant 3 : i32
        %add3A_52 = arith.addi %mul3A_50, %add3A_51 : i32
        %mul3A_53 = arith.constant 128 : i32
        %mul3A_54 = arith.muli %add3A_52, %mul3A_53 : i32
        %dma_start3A_55 = tpu.memref_slice %arg5[%mul3A_54] : memref<4096xi32, #tpu.memory_space<vmem>> -> memref<128xi32, #tpu.memory_space<vmem>>
        %dma_start3A_56 = arith.constant 0 : i32
        %dma_start3A_57 = arith.constant 0 : i32
        %dma_start3A_58 = tpu.memref_slice %arg2[%dma_start3A_56, %dma_start3A_57] : memref<10000x128xf32, #tpu.memory_space<hbm>> -> memref<10000x128xf32, #tpu.memory_space<hbm>>
        tpu.enqueue_indirect_dma source(%dma_start3A_58 : memref<10000x128xf32, #tpu.memory_space<hbm>>) target(%arg7 : memref<128x128xf32, #tpu.memory_space<vmem>>) offsets(%dma_start3A_55 : memref<128xi32, #tpu.memory_space<vmem>>) semaphore(%arg9 : memref<!tpu.dma_semaphore, #tpu.memory_space<semaphore_mem>>)
      } else {
      }
      %scan3A_48 = arith.constant 0 : i32
      scf.yield %scan3A_48 : i32
    }
    %scan3A_17 = arith.constant 16 : i32
    return
  }
}

#map = affine_map<(d0, d1) -> (0, 0)>
#map1 = affine_map<(d0, d1) -> (0)>
#map2 = affine_map<(d0, d1) -> (0, 0, 0)>
module attributes {stable_mosaic.version = 14 : i64} {
  func.func @body(%arg0: i32, %arg1: i32, %arg2: memref<10000x128xf32, #tpu.memory_space<hbm>>, %arg3: memref<640000xi32, #tpu.memory_space<hbm>>, %arg4: memref<640x128xf32, #tpu.memory_space<hbm>>, %arg5: memref<2x10240x128xf32, #tpu.memory_space<hbm>>, %arg6: memref<10000xi32, #tpu.memory_space<vmem>>, %arg7: memref<128x128xf32, #tpu.memory_space<vmem>>, %arg8: memref<128x128xf32, #tpu.memory_space<vmem>>, %arg9: memref<128xi32, #tpu.memory_space<vmem>>, %arg10: memref<128xi32, #tpu.memory_space<vmem>>, %arg11: memref<16xi32, #tpu.memory_space<vmem>>, %arg12: memref<10240x128xf32, #tpu.memory_space<vmem_shared>>, %arg13: memref<!tpu.dma_semaphore, #tpu.memory_space<semaphore_mem>>, %arg14: memref<!tpu.dma_semaphore, #tpu.memory_space<semaphore_mem>>, %arg15: memref<!tpu.dma_semaphore, #tpu.memory_space<semaphore_mem>>, %arg16: memref<!tpu.dma_semaphore, #tpu.memory_space<semaphore_mem>>) attributes {dimension_semantics = [#tpu.dimension_semantics<core_parallel>, #tpu.dimension_semantics<subcore_parallel>], iteration_bounds = array<i64: 2, 16>, scalar_prefetch = 0 : i64, scratch_operands = 11 : i64, tpu.core_type = #tpu.core_type<sc_vector_subcore>, window_params = [{transform_indices = #map}, {transform_indices = #map1}, {transform_indices = #map}, {transform_indices = #map2}]} {
    %mul3A = arith.constant 2 : i32
    %mul3A_0 = arith.muli %arg1, %mul3A : i32
    %add3A = arith.addi %mul3A_0, %arg0 : i32
    %mul3A_1 = arith.constant 10000 : i32
    %mul3A_2 = arith.muli %add3A, %mul3A_1 : i32
    "tpu.region"() ({
      %run_scoped3A = tpu.sem_alloc : memref<!tpu.dma_semaphore, #tpu.memory_space<semaphore_mem>>
      %dma_start3A_56 = tpu.memref_slice %arg3[%mul3A_2] : memref<640000xi32, #tpu.memory_space<hbm>> -> memref<10000xi32, #tpu.memory_space<hbm>>
      %dma_start3A_57 = tpu.memref_slice %arg3[%mul3A_2] : memref<640000xi32, #tpu.memory_space<hbm>> -> memref<10000xi32, #tpu.memory_space<hbm>>
      tpu.enqueue_dma source(%dma_start3A_57 : memref<10000xi32, #tpu.memory_space<hbm>>) target(%arg6 : memref<10000xi32, #tpu.memory_space<vmem>>) target_semaphore(%run_scoped3A : memref<!tpu.dma_semaphore, #tpu.memory_space<semaphore_mem>>)
      %dma_wait3A_58 = tpu.memref_slice %arg3[%mul3A_2] : memref<640000xi32, #tpu.memory_space<hbm>> -> memref<10000xi32, #tpu.memory_space<hbm>>
      %dma_wait3A_59 = tpu.memref_slice %arg3[%mul3A_2] : memref<640000xi32, #tpu.memory_space<hbm>> -> memref<10000xi32, #tpu.memory_space<hbm>>
      tpu.wait_dma2 semaphore(%run_scoped3A : memref<!tpu.dma_semaphore, #tpu.memory_space<semaphore_mem>>) src(%dma_wait3A_59 : memref<10000xi32, #tpu.memory_space<hbm>>) dst(%arg6 : memref<10000xi32, #tpu.memory_space<vmem>>)
      tpu.yield
    }) : () -> ()
    %mul3A_3 = arith.constant 640 : i32
    %mul3A_4 = arith.muli %arg1, %mul3A_3 : i32
    "tpu.region"() ({
      %run_scoped3A = tpu.sem_alloc : memref<!tpu.dma_semaphore, #tpu.memory_space<semaphore_mem>>
      %dma_start3A_56 = arith.constant 0 : i32
      %dma_start3A_57 = tpu.memref_slice %arg12[%mul3A_4, %dma_start3A_56] : memref<10240x128xf32, #tpu.memory_space<vmem_shared>> -> memref<640x128xf32, #tpu.memory_space<vmem_shared>>
      tpu.enqueue_dma source(%arg4 : memref<640x128xf32, #tpu.memory_space<hbm>>) target(%dma_start3A_57 : memref<640x128xf32, #tpu.memory_space<vmem_shared>>) target_semaphore(%run_scoped3A : memref<!tpu.dma_semaphore, #tpu.memory_space<semaphore_mem>>)
      %dma_wait3A_58 = arith.constant 0 : i32
      %dma_wait3A_59 = tpu.memref_slice %arg12[%mul3A_4, %dma_wait3A_58] : memref<10240x128xf32, #tpu.memory_space<vmem_shared>> -> memref<640x128xf32, #tpu.memory_space<vmem_shared>>
      tpu.wait_dma2 semaphore(%run_scoped3A : memref<!tpu.dma_semaphore, #tpu.memory_space<semaphore_mem>>) src(%arg4 : memref<640x128xf32, #tpu.memory_space<hbm>>) dst(%dma_wait3A_59 : memref<640x128xf32, #tpu.memory_space<vmem_shared>>)
      tpu.yield
    }) : () -> ()
    %barrier3A = arith.constant 0 : index
    tpu.barrier barrier_id(%barrier3A)
    %add3A_5 = arith.constant 320000 : i32
    %add3A_6 = arith.addi %add3A_5, %mul3A_2 : i32
    %add3A_7 = arith.constant 0 : i32
    %add3A_8 = arith.addi %add3A_6, %add3A_7 : i32
    %dma_start3A = tpu.memref_slice %arg3[%add3A_8] : memref<640000xi32, #tpu.memory_space<hbm>> -> memref<128xi32, #tpu.memory_space<hbm>>
    %dma_start3A_9 = tpu.memref_slice %arg3[%add3A_8] : memref<640000xi32, #tpu.memory_space<hbm>> -> memref<128xi32, #tpu.memory_space<hbm>>
    tpu.enqueue_dma source(%dma_start3A_9 : memref<128xi32, #tpu.memory_space<hbm>>) target(%arg9 : memref<128xi32, #tpu.memory_space<vmem>>) target_semaphore(%arg15 : memref<!tpu.dma_semaphore, #tpu.memory_space<semaphore_mem>>)
    %dma_start3A_10 = arith.constant 0 : i32
    %dma_start3A_11 = tpu.memref_slice %arg6[%dma_start3A_10] : memref<10000xi32, #tpu.memory_space<vmem>> -> memref<128xi32, #tpu.memory_space<vmem>>
    %dma_start3A_12 = arith.constant 0 : i32
    %dma_start3A_13 = arith.constant 0 : i32
    %dma_start3A_14 = tpu.memref_slice %arg2[%dma_start3A_12, %dma_start3A_13] : memref<10000x128xf32, #tpu.memory_space<hbm>> -> memref<10000x128xf32, #tpu.memory_space<hbm>>
    tpu.enqueue_indirect_dma source(%dma_start3A_14 : memref<10000x128xf32, #tpu.memory_space<hbm>>) target(%arg7 : memref<128x128xf32, #tpu.memory_space<vmem>>) offsets(%dma_start3A_11 : memref<128xi32, #tpu.memory_space<vmem>>) semaphore(%arg13 : memref<!tpu.dma_semaphore, #tpu.memory_space<semaphore_mem>>)
    %add3A_15 = arith.constant 320000 : i32
    %add3A_16 = arith.addi %add3A_15, %mul3A_2 : i32
    %add3A_17 = arith.constant 128 : i32
    %add3A_18 = arith.addi %add3A_16, %add3A_17 : i32
    %dma_start3A_19 = tpu.memref_slice %arg3[%add3A_18] : memref<640000xi32, #tpu.memory_space<hbm>> -> memref<128xi32, #tpu.memory_space<hbm>>
    %dma_start3A_20 = tpu.memref_slice %arg3[%add3A_18] : memref<640000xi32, #tpu.memory_space<hbm>> -> memref<128xi32, #tpu.memory_space<hbm>>
    tpu.enqueue_dma source(%dma_start3A_20 : memref<128xi32, #tpu.memory_space<hbm>>) target(%arg10 : memref<128xi32, #tpu.memory_space<vmem>>) target_semaphore(%arg16 : memref<!tpu.dma_semaphore, #tpu.memory_space<semaphore_mem>>)
    %dma_start3A_21 = arith.constant 128 : i32
    %dma_start3A_22 = tpu.memref_slice %arg6[%dma_start3A_21] : memref<10000xi32, #tpu.memory_space<vmem>> -> memref<128xi32, #tpu.memory_space<vmem>>
    %dma_start3A_23 = arith.constant 0 : i32
    %dma_start3A_24 = arith.constant 0 : i32
    %dma_start3A_25 = tpu.memref_slice %arg2[%dma_start3A_23, %dma_start3A_24] : memref<10000x128xf32, #tpu.memory_space<hbm>> -> memref<10000x128xf32, #tpu.memory_space<hbm>>
    tpu.enqueue_indirect_dma source(%dma_start3A_25 : memref<10000x128xf32, #tpu.memory_space<hbm>>) target(%arg8 : memref<128x128xf32, #tpu.memory_space<vmem>>) offsets(%dma_start3A_22 : memref<128xi32, #tpu.memory_space<vmem>>) semaphore(%arg14 : memref<!tpu.dma_semaphore, #tpu.memory_space<semaphore_mem>>)
    %scan3A = arith.constant 0 : i32
    %scan3A_26 = arith.constant 0 : i32
    %scan3A_27 = arith.constant 39 : i32
    %scan3A_28 = arith.addi %scan3A_26, %scan3A_27 : i32
    %scan3A_29 = arith.constant 1 : i32
    %scan3A_30 = scf.for %scan3A_56 = %scan3A_26 to %scan3A_28 step %scan3A_29 iter_args(%scan3A_57 = %scan3A) -> (i32)  : i32 {
      %dma_wait3A_58 = arith.constant 320000 : i32
      %dma_wait3A_59 = tpu.memref_slice %arg3[%dma_wait3A_58] : memref<640000xi32, #tpu.memory_space<hbm>> -> memref<128xi32, #tpu.memory_space<hbm>>
      %dma_wait3A_60 = arith.constant 320000 : i32
      %dma_wait3A_61 = tpu.memref_slice %arg3[%dma_wait3A_60] : memref<640000xi32, #tpu.memory_space<hbm>> -> memref<128xi32, #tpu.memory_space<hbm>>
      tpu.wait_dma2 semaphore(%arg15 : memref<!tpu.dma_semaphore, #tpu.memory_space<semaphore_mem>>) src(%dma_wait3A_61 : memref<128xi32, #tpu.memory_space<hbm>>) dst(%arg9 : memref<128xi32, #tpu.memory_space<vmem>>)
      %dma_wait3A_62 = arith.constant 0 : i32
      %dma_wait3A_63 = tpu.memref_slice %arg6[%dma_wait3A_62] : memref<10000xi32, #tpu.memory_space<vmem>> -> memref<128xi32, #tpu.memory_space<vmem>>
      %dma_wait3A_64 = arith.constant 0 : i32
      %dma_wait3A_65 = arith.constant 0 : i32
      %dma_wait3A_66 = tpu.memref_slice %arg2[%dma_wait3A_64, %dma_wait3A_65] : memref<10000x128xf32, #tpu.memory_space<hbm>> -> memref<10000x128xf32, #tpu.memory_space<hbm>>
      tpu.wait_indirect_dma semaphore(%arg13 : memref<!tpu.dma_semaphore, #tpu.memory_space<semaphore_mem>>) src(%dma_wait3A_66 : memref<10000x128xf32, #tpu.memory_space<hbm>>) dst(%arg7 : memref<128x128xf32, #tpu.memory_space<vmem>>)
      "tpu.region"() ({
        %run_scoped3A = tpu.sem_alloc : memref<!tpu.dma_semaphore, #tpu.memory_space<semaphore_mem>>
        %dma_start3A_84 = arith.constant 0 : i32
        %dma_start3A_85 = arith.constant 0 : i32
        %dma_start3A_86 = tpu.memref_slice %arg12[%dma_start3A_84, %dma_start3A_85] : memref<10240x128xf32, #tpu.memory_space<vmem_shared>> -> memref<10240x128xf32, #tpu.memory_space<vmem_shared>>
        tpu.enqueue_indirect_dma source(%arg7 : memref<128x128xf32, #tpu.memory_space<vmem>>) target(%dma_start3A_86 : memref<10240x128xf32, #tpu.memory_space<vmem_shared>>) offsets(%arg9 : memref<128xi32, #tpu.memory_space<vmem>>) semaphore(%run_scoped3A : memref<!tpu.dma_semaphore, #tpu.memory_space<semaphore_mem>>) {add = true}
        %dma_wait3A_87 = arith.constant 0 : i32
        %dma_wait3A_88 = arith.constant 0 : i32
        %dma_wait3A_89 = tpu.memref_slice %arg12[%dma_wait3A_87, %dma_wait3A_88] : memref<10240x128xf32, #tpu.memory_space<vmem_shared>> -> memref<10240x128xf32, #tpu.memory_space<vmem_shared>>
        tpu.wait_indirect_dma semaphore(%run_scoped3A : memref<!tpu.dma_semaphore, #tpu.memory_space<semaphore_mem>>) src(%arg7 : memref<128x128xf32, #tpu.memory_space<vmem>>) dst(%dma_wait3A_89 : memref<10240x128xf32, #tpu.memory_space<vmem_shared>>)
        tpu.yield
      }) : () -> ()
      %lt3A = arith.constant 38 : i32
      %lt3A_67 = arith.cmpi slt, %scan3A_56, %lt3A : i32
      %convert_element_type3A = arith.extui %lt3A_67 : i1 to i32
      %cond3A = arith.constant 0 : i32
      %cond3A_68 = arith.cmpi ne, %convert_element_type3A, %cond3A : i32
      scf.if %cond3A_68 {
        %mul3A_84 = arith.constant 2 : i32
        %mul3A_85 = arith.muli %mul3A_84, %scan3A_56 : i32
        %add3A_86 = arith.constant 2 : i32
        %add3A_87 = arith.addi %mul3A_85, %add3A_86 : i32
        %add3A_88 = arith.constant 320000 : i32
        %add3A_89 = arith.addi %add3A_88, %mul3A_2 : i32
        %mul3A_90 = arith.constant 128 : i32
        %mul3A_91 = arith.muli %add3A_87, %mul3A_90 : i32
        %add3A_92 = arith.addi %add3A_89, %mul3A_91 : i32
        %dma_start3A_93 = tpu.memref_slice %arg3[%add3A_92] : memref<640000xi32, #tpu.memory_space<hbm>> -> memref<128xi32, #tpu.memory_space<hbm>>
        %dma_start3A_94 = tpu.memref_slice %arg3[%add3A_92] : memref<640000xi32, #tpu.memory_space<hbm>> -> memref<128xi32, #tpu.memory_space<hbm>>
        tpu.enqueue_dma source(%dma_start3A_94 : memref<128xi32, #tpu.memory_space<hbm>>) target(%arg9 : memref<128xi32, #tpu.memory_space<vmem>>) target_semaphore(%arg15 : memref<!tpu.dma_semaphore, #tpu.memory_space<semaphore_mem>>)
        %mul3A_95 = arith.constant 128 : i32
        %mul3A_96 = arith.muli %add3A_87, %mul3A_95 : i32
        %dma_start3A_97 = tpu.memref_slice %arg6[%mul3A_96] : memref<10000xi32, #tpu.memory_space<vmem>> -> memref<128xi32, #tpu.memory_space<vmem>>
        %dma_start3A_98 = arith.constant 0 : i32
        %dma_start3A_99 = arith.constant 0 : i32
        %dma_start3A_100 = tpu.memref_slice %arg2[%dma_start3A_98, %dma_start3A_99] : memref<10000x128xf32, #tpu.memory_space<hbm>> -> memref<10000x128xf32, #tpu.memory_space<hbm>>
        tpu.enqueue_indirect_dma source(%dma_start3A_100 : memref<10000x128xf32, #tpu.memory_space<hbm>>) target(%arg7 : memref<128x128xf32, #tpu.memory_space<vmem>>) offsets(%dma_start3A_97 : memref<128xi32, #tpu.memory_space<vmem>>) semaphore(%arg13 : memref<!tpu.dma_semaphore, #tpu.memory_space<semaphore_mem>>)
      } else {
      }
      %dma_wait3A_69 = arith.constant 320000 : i32
      %dma_wait3A_70 = tpu.memref_slice %arg3[%dma_wait3A_69] : memref<640000xi32, #tpu.memory_space<hbm>> -> memref<128xi32, #tpu.memory_space<hbm>>
      %dma_wait3A_71 = arith.constant 320000 : i32
      %dma_wait3A_72 = tpu.memref_slice %arg3[%dma_wait3A_71] : memref<640000xi32, #tpu.memory_space<hbm>> -> memref<128xi32, #tpu.memory_space<hbm>>
      tpu.wait_dma2 semaphore(%arg16 : memref<!tpu.dma_semaphore, #tpu.memory_space<semaphore_mem>>) src(%dma_wait3A_72 : memref<128xi32, #tpu.memory_space<hbm>>) dst(%arg10 : memref<128xi32, #tpu.memory_space<vmem>>)
      %dma_wait3A_73 = arith.constant 0 : i32
      %dma_wait3A_74 = tpu.memref_slice %arg6[%dma_wait3A_73] : memref<10000xi32, #tpu.memory_space<vmem>> -> memref<128xi32, #tpu.memory_space<vmem>>
      %dma_wait3A_75 = arith.constant 0 : i32
      %dma_wait3A_76 = arith.constant 0 : i32
      %dma_wait3A_77 = tpu.memref_slice %arg2[%dma_wait3A_75, %dma_wait3A_76] : memref<10000x128xf32, #tpu.memory_space<hbm>> -> memref<10000x128xf32, #tpu.memory_space<hbm>>
      tpu.wait_indirect_dma semaphore(%arg14 : memref<!tpu.dma_semaphore, #tpu.memory_space<semaphore_mem>>) src(%dma_wait3A_77 : memref<10000x128xf32, #tpu.memory_space<hbm>>) dst(%arg8 : memref<128x128xf32, #tpu.memory_space<vmem>>)
      "tpu.region"() ({
        %run_scoped3A = tpu.sem_alloc : memref<!tpu.dma_semaphore, #tpu.memory_space<semaphore_mem>>
        %dma_start3A_84 = arith.constant 0 : i32
        %dma_start3A_85 = arith.constant 0 : i32
        %dma_start3A_86 = tpu.memref_slice %arg12[%dma_start3A_84, %dma_start3A_85] : memref<10240x128xf32, #tpu.memory_space<vmem_shared>> -> memref<10240x128xf32, #tpu.memory_space<vmem_shared>>
        tpu.enqueue_indirect_dma source(%arg8 : memref<128x128xf32, #tpu.memory_space<vmem>>) target(%dma_start3A_86 : memref<10240x128xf32, #tpu.memory_space<vmem_shared>>) offsets(%arg10 : memref<128xi32, #tpu.memory_space<vmem>>) semaphore(%run_scoped3A : memref<!tpu.dma_semaphore, #tpu.memory_space<semaphore_mem>>) {add = true}
        %dma_wait3A_87 = arith.constant 0 : i32
        %dma_wait3A_88 = arith.constant 0 : i32
        %dma_wait3A_89 = tpu.memref_slice %arg12[%dma_wait3A_87, %dma_wait3A_88] : memref<10240x128xf32, #tpu.memory_space<vmem_shared>> -> memref<10240x128xf32, #tpu.memory_space<vmem_shared>>
        tpu.wait_indirect_dma semaphore(%run_scoped3A : memref<!tpu.dma_semaphore, #tpu.memory_space<semaphore_mem>>) src(%arg8 : memref<128x128xf32, #tpu.memory_space<vmem>>) dst(%dma_wait3A_89 : memref<10240x128xf32, #tpu.memory_space<vmem_shared>>)
        tpu.yield
      }) : () -> ()
      %lt3A_78 = arith.constant 38 : i32
      %lt3A_79 = arith.cmpi slt, %scan3A_56, %lt3A_78 : i32
      %convert_element_type3A_80 = arith.extui %lt3A_79 : i1 to i32
      %cond3A_81 = arith.constant 0 : i32
      %cond3A_82 = arith.cmpi ne, %convert_element_type3A_80, %cond3A_81 : i32
      scf.if %cond3A_82 {
        %mul3A_84 = arith.constant 2 : i32
        %mul3A_85 = arith.muli %mul3A_84, %scan3A_56 : i32
        %add3A_86 = arith.constant 3 : i32
        %add3A_87 = arith.addi %mul3A_85, %add3A_86 : i32
        %add3A_88 = arith.constant 320000 : i32
        %add3A_89 = arith.addi %add3A_88, %mul3A_2 : i32
        %mul3A_90 = arith.constant 128 : i32
        %mul3A_91 = arith.muli %add3A_87, %mul3A_90 : i32
        %add3A_92 = arith.addi %add3A_89, %mul3A_91 : i32
        %dma_start3A_93 = tpu.memref_slice %arg3[%add3A_92] : memref<640000xi32, #tpu.memory_space<hbm>> -> memref<128xi32, #tpu.memory_space<hbm>>
        %dma_start3A_94 = tpu.memref_slice %arg3[%add3A_92] : memref<640000xi32, #tpu.memory_space<hbm>> -> memref<128xi32, #tpu.memory_space<hbm>>
        tpu.enqueue_dma source(%dma_start3A_94 : memref<128xi32, #tpu.memory_space<hbm>>) target(%arg10 : memref<128xi32, #tpu.memory_space<vmem>>) target_semaphore(%arg16 : memref<!tpu.dma_semaphore, #tpu.memory_space<semaphore_mem>>)
        %mul3A_95 = arith.constant 128 : i32
        %mul3A_96 = arith.muli %add3A_87, %mul3A_95 : i32
        %dma_start3A_97 = tpu.memref_slice %arg6[%mul3A_96] : memref<10000xi32, #tpu.memory_space<vmem>> -> memref<128xi32, #tpu.memory_space<vmem>>
        %dma_start3A_98 = arith.constant 0 : i32
        %dma_start3A_99 = arith.constant 0 : i32
        %dma_start3A_100 = tpu.memref_slice %arg2[%dma_start3A_98, %dma_start3A_99] : memref<10000x128xf32, #tpu.memory_space<hbm>> -> memref<10000x128xf32, #tpu.memory_space<hbm>>
        tpu.enqueue_indirect_dma source(%dma_start3A_100 : memref<10000x128xf32, #tpu.memory_space<hbm>>) target(%arg8 : memref<128x128xf32, #tpu.memory_space<vmem>>) offsets(%dma_start3A_97 : memref<128xi32, #tpu.memory_space<vmem>>) semaphore(%arg14 : memref<!tpu.dma_semaphore, #tpu.memory_space<semaphore_mem>>)
      } else {
      }
      %scan3A_83 = arith.constant 0 : i32
      scf.yield %scan3A_83 : i32
    }
    %scan3A_31 = arith.constant 39 : i32
    %add3A_32 = arith.constant 320000 : i32
    %add3A_33 = arith.addi %add3A_32, %mul3A_2 : i32
    %add3A_34 = arith.constant 9984 : i32
    %add3A_35 = arith.addi %add3A_33, %add3A_34 : i32
    "tpu.region"() ({
      %run_scoped3A = tpu.sem_alloc : memref<!tpu.dma_semaphore, #tpu.memory_space<semaphore_mem>>
      %dma_start3A_56 = tpu.memref_slice %arg3[%add3A_35] : memref<640000xi32, #tpu.memory_space<hbm>> -> memref<16xi32, #tpu.memory_space<hbm>>
      %dma_start3A_57 = tpu.memref_slice %arg3[%add3A_35] : memref<640000xi32, #tpu.memory_space<hbm>> -> memref<16xi32, #tpu.memory_space<hbm>>
      tpu.enqueue_dma source(%dma_start3A_57 : memref<16xi32, #tpu.memory_space<hbm>>) target(%arg11 : memref<16xi32, #tpu.memory_space<vmem>>) target_semaphore(%run_scoped3A : memref<!tpu.dma_semaphore, #tpu.memory_space<semaphore_mem>>)
      %dma_wait3A_58 = tpu.memref_slice %arg3[%add3A_35] : memref<640000xi32, #tpu.memory_space<hbm>> -> memref<16xi32, #tpu.memory_space<hbm>>
      %dma_wait3A_59 = tpu.memref_slice %arg3[%add3A_35] : memref<640000xi32, #tpu.memory_space<hbm>> -> memref<16xi32, #tpu.memory_space<hbm>>
      tpu.wait_dma2 semaphore(%run_scoped3A : memref<!tpu.dma_semaphore, #tpu.memory_space<semaphore_mem>>) src(%dma_wait3A_59 : memref<16xi32, #tpu.memory_space<hbm>>) dst(%arg11 : memref<16xi32, #tpu.memory_space<vmem>>)
      tpu.yield
    }) : () -> ()
    %dma_start3A_36 = arith.constant 0 : i32
    %dma_start3A_37 = arith.constant 0 : i32
    %dma_start3A_38 = tpu.memref_slice %arg7[%dma_start3A_36, %dma_start3A_37] : memref<128x128xf32, #tpu.memory_space<vmem>> -> memref<16x128xf32, #tpu.memory_space<vmem>>
    %dma_start3A_39 = arith.constant 9984 : i32
    %dma_start3A_40 = tpu.memref_slice %arg6[%dma_start3A_39] : memref<10000xi32, #tpu.memory_space<vmem>> -> memref<16xi32, #tpu.memory_space<vmem>>
    %dma_start3A_41 = arith.constant 0 : i32
    %dma_start3A_42 = arith.constant 0 : i32
    %dma_start3A_43 = tpu.memref_slice %arg2[%dma_start3A_41, %dma_start3A_42] : memref<10000x128xf32, #tpu.memory_space<hbm>> -> memref<10000x128xf32, #tpu.memory_space<hbm>>
    tpu.enqueue_indirect_dma source(%dma_start3A_43 : memref<10000x128xf32, #tpu.memory_space<hbm>>) target(%dma_start3A_38 : memref<16x128xf32, #tpu.memory_space<vmem>>) offsets(%dma_start3A_40 : memref<16xi32, #tpu.memory_space<vmem>>) semaphore(%arg13 : memref<!tpu.dma_semaphore, #tpu.memory_space<semaphore_mem>>)
    %dma_wait3A = arith.constant 0 : i32
    %dma_wait3A_44 = arith.constant 0 : i32
    %dma_wait3A_45 = tpu.memref_slice %arg7[%dma_wait3A, %dma_wait3A_44] : memref<128x128xf32, #tpu.memory_space<vmem>> -> memref<16x128xf32, #tpu.memory_space<vmem>>
    %dma_wait3A_46 = arith.constant 9984 : i32
    %dma_wait3A_47 = tpu.memref_slice %arg6[%dma_wait3A_46] : memref<10000xi32, #tpu.memory_space<vmem>> -> memref<16xi32, #tpu.memory_space<vmem>>
    %dma_wait3A_48 = arith.constant 0 : i32
    %dma_wait3A_49 = arith.constant 0 : i32
    %dma_wait3A_50 = tpu.memref_slice %arg2[%dma_wait3A_48, %dma_wait3A_49] : memref<10000x128xf32, #tpu.memory_space<hbm>> -> memref<10000x128xf32, #tpu.memory_space<hbm>>
    tpu.wait_indirect_dma semaphore(%arg13 : memref<!tpu.dma_semaphore, #tpu.memory_space<semaphore_mem>>) src(%dma_wait3A_50 : memref<10000x128xf32, #tpu.memory_space<hbm>>) dst(%dma_wait3A_45 : memref<16x128xf32, #tpu.memory_space<vmem>>)
    "tpu.region"() ({
      %run_scoped3A = tpu.sem_alloc : memref<!tpu.dma_semaphore, #tpu.memory_space<semaphore_mem>>
      %dma_start3A_56 = arith.constant 0 : i32
      %dma_start3A_57 = arith.constant 0 : i32
      %dma_start3A_58 = tpu.memref_slice %arg7[%dma_start3A_56, %dma_start3A_57] : memref<128x128xf32, #tpu.memory_space<vmem>> -> memref<16x128xf32, #tpu.memory_space<vmem>>
      %dma_start3A_59 = arith.constant 0 : i32
      %dma_start3A_60 = arith.constant 0 : i32
      %dma_start3A_61 = tpu.memref_slice %arg12[%dma_start3A_59, %dma_start3A_60] : memref<10240x128xf32, #tpu.memory_space<vmem_shared>> -> memref<10240x128xf32, #tpu.memory_space<vmem_shared>>
      tpu.enqueue_indirect_dma source(%dma_start3A_58 : memref<16x128xf32, #tpu.memory_space<vmem>>) target(%dma_start3A_61 : memref<10240x128xf32, #tpu.memory_space<vmem_shared>>) offsets(%arg11 : memref<16xi32, #tpu.memory_space<vmem>>) semaphore(%run_scoped3A : memref<!tpu.dma_semaphore, #tpu.memory_space<semaphore_mem>>) {add = true}
      %dma_wait3A_62 = arith.constant 0 : i32
      %dma_wait3A_63 = arith.constant 0 : i32
      %dma_wait3A_64 = tpu.memref_slice %arg7[%dma_wait3A_62, %dma_wait3A_63] : memref<128x128xf32, #tpu.memory_space<vmem>> -> memref<16x128xf32, #tpu.memory_space<vmem>>
      %dma_wait3A_65 = arith.constant 0 : i32
      %dma_wait3A_66 = arith.constant 0 : i32
      %dma_wait3A_67 = tpu.memref_slice %arg12[%dma_wait3A_65, %dma_wait3A_66] : memref<10240x128xf32, #tpu.memory_space<vmem_shared>> -> memref<10240x128xf32, #tpu.memory_space<vmem_shared>>
      tpu.wait_indirect_dma semaphore(%run_scoped3A : memref<!tpu.dma_semaphore, #tpu.memory_space<semaphore_mem>>) src(%dma_wait3A_64 : memref<16x128xf32, #tpu.memory_space<vmem>>) dst(%dma_wait3A_67 : memref<10240x128xf32, #tpu.memory_space<vmem_shared>>)
      tpu.yield
    }) : () -> ()
    %barrier3A_51 = arith.constant 0 : index
    tpu.barrier barrier_id(%barrier3A_51)
    %mul3A_52 = arith.constant 640 : i32
    %mul3A_53 = arith.muli %arg1, %mul3A_52 : i32
    %mul3A_54 = arith.constant 640 : i32
    %mul3A_55 = arith.muli %arg1, %mul3A_54 : i32
    "tpu.region"() ({
      %run_scoped3A = tpu.sem_alloc : memref<!tpu.dma_semaphore, #tpu.memory_space<semaphore_mem>>
      %dma_start3A_56 = arith.constant 0 : i32
      %dma_start3A_57 = tpu.memref_slice %arg5[%arg0, %mul3A_55, %dma_start3A_56] : memref<2x10240x128xf32, #tpu.memory_space<hbm>> -> memref<1x640x128xf32, #tpu.memory_space<hbm>>
      %dma_start3A_58 = tpu.memref_squeeze %dma_start3A_57 : memref<1x640x128xf32, #tpu.memory_space<hbm>> -> memref<640x128xf32, #tpu.memory_space<hbm>>
      %dma_start3A_59 = arith.constant 0 : i32
      %dma_start3A_60 = tpu.memref_slice %arg12[%mul3A_53, %dma_start3A_59] : memref<10240x128xf32, #tpu.memory_space<vmem_shared>> -> memref<640x128xf32, #tpu.memory_space<vmem_shared>>
      tpu.enqueue_dma source(%dma_start3A_60 : memref<640x128xf32, #tpu.memory_space<vmem_shared>>) target(%dma_start3A_58 : memref<640x128xf32, #tpu.memory_space<hbm>>) target_semaphore(%run_scoped3A : memref<!tpu.dma_semaphore, #tpu.memory_space<semaphore_mem>>)
      %dma_wait3A_61 = arith.constant 0 : i32
      %dma_wait3A_62 = tpu.memref_slice %arg5[%arg0, %mul3A_55, %dma_wait3A_61] : memref<2x10240x128xf32, #tpu.memory_space<hbm>> -> memref<1x640x128xf32, #tpu.memory_space<hbm>>
      %dma_wait3A_63 = tpu.memref_squeeze %dma_wait3A_62 : memref<1x640x128xf32, #tpu.memory_space<hbm>> -> memref<640x128xf32, #tpu.memory_space<hbm>>
      %dma_wait3A_64 = arith.constant 0 : i32
      %dma_wait3A_65 = tpu.memref_slice %arg12[%mul3A_53, %dma_wait3A_64] : memref<10240x128xf32, #tpu.memory_space<vmem_shared>> -> memref<640x128xf32, #tpu.memory_space<vmem_shared>>
      tpu.wait_dma2 semaphore(%run_scoped3A : memref<!tpu.dma_semaphore, #tpu.memory_space<semaphore_mem>>) src(%dma_wait3A_65 : memref<640x128xf32, #tpu.memory_space<vmem_shared>>) dst(%dma_wait3A_63 : memref<640x128xf32, #tpu.memory_space<hbm>>)
      tpu.yield
    }) : () -> ()
    return
  }
}

#map = affine_map<(d0, d1) -> (0, 0)>
#map1 = affine_map<(d0, d1) -> (0)>
#map2 = affine_map<(d0, d1) -> (0, 0, 0)>
module attributes {stable_mosaic.version = 14 : i64} {
  func.func @body(%arg0: i32, %arg1: i32, %arg2: memref<10000x128xf32, #tpu.memory_space<hbm>>, %arg3: memref<640000xi32, #tpu.memory_space<hbm>>, %arg4: memref<640x128xf32, #tpu.memory_space<hbm>>, %arg5: memref<640xf32, #tpu.memory_space<hbm>>, %arg6: memref<128xf32, #tpu.memory_space<hbm>>, %arg7: memref<2x10240x128xf32, #tpu.memory_space<hbm>>, %arg8: memref<2x10240xf32, #tpu.memory_space<hbm>>, %arg9: memref<10000xi32, #tpu.memory_space<vmem>>, %arg10: memref<128x128xf32, #tpu.memory_space<vmem>>, %arg11: memref<128x128xf32, #tpu.memory_space<vmem>>, %arg12: memref<128xi32, #tpu.memory_space<vmem>>, %arg13: memref<128xi32, #tpu.memory_space<vmem>>, %arg14: memref<16xi32, #tpu.memory_space<vmem>>, %arg15: memref<10240x128xf32, #tpu.memory_space<vmem_shared>>, %arg16: memref<!tpu.dma_semaphore, #tpu.memory_space<semaphore_mem>>, %arg17: memref<!tpu.dma_semaphore, #tpu.memory_space<semaphore_mem>>, %arg18: memref<!tpu.dma_semaphore, #tpu.memory_space<semaphore_mem>>, %arg19: memref<!tpu.dma_semaphore, #tpu.memory_space<semaphore_mem>>, %arg20: memref<128xf32, #tpu.memory_space<vmem>>, %arg21: memref<10240xf32, #tpu.memory_space<vmem_shared>>) attributes {dimension_semantics = [#tpu.dimension_semantics<core_parallel>, #tpu.dimension_semantics<subcore_parallel>], iteration_bounds = array<i64: 2, 16>, scalar_prefetch = 0 : i64, scratch_operands = 13 : i64, tpu.core_type = #tpu.core_type<sc_vector_subcore>, window_params = [{transform_indices = #map}, {transform_indices = #map1}, {transform_indices = #map}, {transform_indices = #map1}, {transform_indices = #map1}, {transform_indices = #map2}, {transform_indices = #map}]} {
    %mul3A = arith.constant 2 : i32
    %mul3A_0 = arith.muli %arg1, %mul3A : i32
    %add3A = arith.addi %mul3A_0, %arg0 : i32
    %mul3A_1 = arith.constant 10000 : i32
    %mul3A_2 = arith.muli %add3A, %mul3A_1 : i32
    "tpu.region"() ({
      %run_scoped3A = tpu.sem_alloc : memref<!tpu.dma_semaphore, #tpu.memory_space<semaphore_mem>>
      %dma_start3A_62 = tpu.memref_slice %arg3[%mul3A_2] : memref<640000xi32, #tpu.memory_space<hbm>> -> memref<10000xi32, #tpu.memory_space<hbm>>
      %dma_start3A_63 = tpu.memref_slice %arg3[%mul3A_2] : memref<640000xi32, #tpu.memory_space<hbm>> -> memref<10000xi32, #tpu.memory_space<hbm>>
      tpu.enqueue_dma source(%dma_start3A_63 : memref<10000xi32, #tpu.memory_space<hbm>>) target(%arg9 : memref<10000xi32, #tpu.memory_space<vmem>>) target_semaphore(%run_scoped3A : memref<!tpu.dma_semaphore, #tpu.memory_space<semaphore_mem>>)
      %dma_wait3A_64 = tpu.memref_slice %arg3[%mul3A_2] : memref<640000xi32, #tpu.memory_space<hbm>> -> memref<10000xi32, #tpu.memory_space<hbm>>
      %dma_wait3A_65 = tpu.memref_slice %arg3[%mul3A_2] : memref<640000xi32, #tpu.memory_space<hbm>> -> memref<10000xi32, #tpu.memory_space<hbm>>
      tpu.wait_dma2 semaphore(%run_scoped3A : memref<!tpu.dma_semaphore, #tpu.memory_space<semaphore_mem>>) src(%dma_wait3A_65 : memref<10000xi32, #tpu.memory_space<hbm>>) dst(%arg9 : memref<10000xi32, #tpu.memory_space<vmem>>)
      tpu.yield
    }) : () -> ()
    %mul3A_3 = arith.constant 640 : i32
    %mul3A_4 = arith.muli %arg1, %mul3A_3 : i32
    "tpu.region"() ({
      %run_scoped3A = tpu.sem_alloc : memref<!tpu.dma_semaphore, #tpu.memory_space<semaphore_mem>>
      %dma_start3A_62 = arith.constant 0 : i32
      %dma_start3A_63 = tpu.memref_slice %arg15[%mul3A_4, %dma_start3A_62] : memref<10240x128xf32, #tpu.memory_space<vmem_shared>> -> memref<640x128xf32, #tpu.memory_space<vmem_shared>>
      tpu.enqueue_dma source(%arg4 : memref<640x128xf32, #tpu.memory_space<hbm>>) target(%dma_start3A_63 : memref<640x128xf32, #tpu.memory_space<vmem_shared>>) target_semaphore(%run_scoped3A : memref<!tpu.dma_semaphore, #tpu.memory_space<semaphore_mem>>)
      %dma_wait3A_64 = arith.constant 0 : i32
      %dma_wait3A_65 = tpu.memref_slice %arg15[%mul3A_4, %dma_wait3A_64] : memref<10240x128xf32, #tpu.memory_space<vmem_shared>> -> memref<640x128xf32, #tpu.memory_space<vmem_shared>>
      tpu.wait_dma2 semaphore(%run_scoped3A : memref<!tpu.dma_semaphore, #tpu.memory_space<semaphore_mem>>) src(%arg4 : memref<640x128xf32, #tpu.memory_space<hbm>>) dst(%dma_wait3A_65 : memref<640x128xf32, #tpu.memory_space<vmem_shared>>)
      tpu.yield
    }) : () -> ()
    %mul3A_5 = arith.constant 640 : i32
    %mul3A_6 = arith.muli %arg1, %mul3A_5 : i32
    "tpu.region"() ({
      %run_scoped3A = tpu.sem_alloc : memref<!tpu.dma_semaphore, #tpu.memory_space<semaphore_mem>>
      %dma_start3A_62 = tpu.memref_slice %arg21[%mul3A_6] : memref<10240xf32, #tpu.memory_space<vmem_shared>> -> memref<640xf32, #tpu.memory_space<vmem_shared>>
      tpu.enqueue_dma source(%arg5 : memref<640xf32, #tpu.memory_space<hbm>>) target(%dma_start3A_62 : memref<640xf32, #tpu.memory_space<vmem_shared>>) target_semaphore(%run_scoped3A : memref<!tpu.dma_semaphore, #tpu.memory_space<semaphore_mem>>)
      %dma_wait3A_63 = tpu.memref_slice %arg21[%mul3A_6] : memref<10240xf32, #tpu.memory_space<vmem_shared>> -> memref<640xf32, #tpu.memory_space<vmem_shared>>
      tpu.wait_dma2 semaphore(%run_scoped3A : memref<!tpu.dma_semaphore, #tpu.memory_space<semaphore_mem>>) src(%arg5 : memref<640xf32, #tpu.memory_space<hbm>>) dst(%dma_wait3A_63 : memref<640xf32, #tpu.memory_space<vmem_shared>>)
      tpu.yield
    }) : () -> ()
    "tpu.region"() ({
      %run_scoped3A = tpu.sem_alloc : memref<!tpu.dma_semaphore, #tpu.memory_space<semaphore_mem>>
      tpu.enqueue_dma source(%arg6 : memref<128xf32, #tpu.memory_space<hbm>>) target(%arg20 : memref<128xf32, #tpu.memory_space<vmem>>) target_semaphore(%run_scoped3A : memref<!tpu.dma_semaphore, #tpu.memory_space<semaphore_mem>>)
      tpu.wait_dma2 semaphore(%run_scoped3A : memref<!tpu.dma_semaphore, #tpu.memory_space<semaphore_mem>>) src(%arg6 : memref<128xf32, #tpu.memory_space<hbm>>) dst(%arg20 : memref<128xf32, #tpu.memory_space<vmem>>)
      tpu.yield
    }) : () -> ()
    %barrier3A = arith.constant 0 : index
    tpu.barrier barrier_id(%barrier3A)
    %add3A_7 = arith.constant 320000 : i32
    %add3A_8 = arith.addi %add3A_7, %mul3A_2 : i32
    %add3A_9 = arith.constant 0 : i32
    %add3A_10 = arith.addi %add3A_8, %add3A_9 : i32
    %dma_start3A = tpu.memref_slice %arg3[%add3A_10] : memref<640000xi32, #tpu.memory_space<hbm>> -> memref<128xi32, #tpu.memory_space<hbm>>
    %dma_start3A_11 = tpu.memref_slice %arg3[%add3A_10] : memref<640000xi32, #tpu.memory_space<hbm>> -> memref<128xi32, #tpu.memory_space<hbm>>
    tpu.enqueue_dma source(%dma_start3A_11 : memref<128xi32, #tpu.memory_space<hbm>>) target(%arg12 : memref<128xi32, #tpu.memory_space<vmem>>) target_semaphore(%arg18 : memref<!tpu.dma_semaphore, #tpu.memory_space<semaphore_mem>>)
    %dma_start3A_12 = arith.constant 0 : i32
    %dma_start3A_13 = tpu.memref_slice %arg9[%dma_start3A_12] : memref<10000xi32, #tpu.memory_space<vmem>> -> memref<128xi32, #tpu.memory_space<vmem>>
    %dma_start3A_14 = arith.constant 0 : i32
    %dma_start3A_15 = arith.constant 0 : i32
    %dma_start3A_16 = tpu.memref_slice %arg2[%dma_start3A_14, %dma_start3A_15] : memref<10000x128xf32, #tpu.memory_space<hbm>> -> memref<10000x128xf32, #tpu.memory_space<hbm>>
    tpu.enqueue_indirect_dma source(%dma_start3A_16 : memref<10000x128xf32, #tpu.memory_space<hbm>>) target(%arg10 : memref<128x128xf32, #tpu.memory_space<vmem>>) offsets(%dma_start3A_13 : memref<128xi32, #tpu.memory_space<vmem>>) semaphore(%arg16 : memref<!tpu.dma_semaphore, #tpu.memory_space<semaphore_mem>>)
    %add3A_17 = arith.constant 320000 : i32
    %add3A_18 = arith.addi %add3A_17, %mul3A_2 : i32
    %add3A_19 = arith.constant 128 : i32
    %add3A_20 = arith.addi %add3A_18, %add3A_19 : i32
    %dma_start3A_21 = tpu.memref_slice %arg3[%add3A_20] : memref<640000xi32, #tpu.memory_space<hbm>> -> memref<128xi32, #tpu.memory_space<hbm>>
    %dma_start3A_22 = tpu.memref_slice %arg3[%add3A_20] : memref<640000xi32, #tpu.memory_space<hbm>> -> memref<128xi32, #tpu.memory_space<hbm>>
    tpu.enqueue_dma source(%dma_start3A_22 : memref<128xi32, #tpu.memory_space<hbm>>) target(%arg13 : memref<128xi32, #tpu.memory_space<vmem>>) target_semaphore(%arg19 : memref<!tpu.dma_semaphore, #tpu.memory_space<semaphore_mem>>)
    %dma_start3A_23 = arith.constant 128 : i32
    %dma_start3A_24 = tpu.memref_slice %arg9[%dma_start3A_23] : memref<10000xi32, #tpu.memory_space<vmem>> -> memref<128xi32, #tpu.memory_space<vmem>>
    %dma_start3A_25 = arith.constant 0 : i32
    %dma_start3A_26 = arith.constant 0 : i32
    %dma_start3A_27 = tpu.memref_slice %arg2[%dma_start3A_25, %dma_start3A_26] : memref<10000x128xf32, #tpu.memory_space<hbm>> -> memref<10000x128xf32, #tpu.memory_space<hbm>>
    tpu.enqueue_indirect_dma source(%dma_start3A_27 : memref<10000x128xf32, #tpu.memory_space<hbm>>) target(%arg11 : memref<128x128xf32, #tpu.memory_space<vmem>>) offsets(%dma_start3A_24 : memref<128xi32, #tpu.memory_space<vmem>>) semaphore(%arg17 : memref<!tpu.dma_semaphore, #tpu.memory_space<semaphore_mem>>)
    %scan3A = arith.constant 0 : i32
    %scan3A_28 = arith.constant 0 : i32
    %scan3A_29 = arith.constant 39 : i32
    %scan3A_30 = arith.addi %scan3A_28, %scan3A_29 : i32
    %scan3A_31 = arith.constant 1 : i32
    %scan3A_32 = scf.for %scan3A_62 = %scan3A_28 to %scan3A_30 step %scan3A_31 iter_args(%scan3A_63 = %scan3A) -> (i32)  : i32 {
      %dma_wait3A_64 = arith.constant 320000 : i32
      %dma_wait3A_65 = tpu.memref_slice %arg3[%dma_wait3A_64] : memref<640000xi32, #tpu.memory_space<hbm>> -> memref<128xi32, #tpu.memory_space<hbm>>
      %dma_wait3A_66 = arith.constant 320000 : i32
      %dma_wait3A_67 = tpu.memref_slice %arg3[%dma_wait3A_66] : memref<640000xi32, #tpu.memory_space<hbm>> -> memref<128xi32, #tpu.memory_space<hbm>>
      tpu.wait_dma2 semaphore(%arg18 : memref<!tpu.dma_semaphore, #tpu.memory_space<semaphore_mem>>) src(%dma_wait3A_67 : memref<128xi32, #tpu.memory_space<hbm>>) dst(%arg12 : memref<128xi32, #tpu.memory_space<vmem>>)
      %dma_wait3A_68 = arith.constant 0 : i32
      %dma_wait3A_69 = tpu.memref_slice %arg9[%dma_wait3A_68] : memref<10000xi32, #tpu.memory_space<vmem>> -> memref<128xi32, #tpu.memory_space<vmem>>
      %dma_wait3A_70 = arith.constant 0 : i32
      %dma_wait3A_71 = arith.constant 0 : i32
      %dma_wait3A_72 = tpu.memref_slice %arg2[%dma_wait3A_70, %dma_wait3A_71] : memref<10000x128xf32, #tpu.memory_space<hbm>> -> memref<10000x128xf32, #tpu.memory_space<hbm>>
      tpu.wait_indirect_dma semaphore(%arg16 : memref<!tpu.dma_semaphore, #tpu.memory_space<semaphore_mem>>) src(%dma_wait3A_72 : memref<10000x128xf32, #tpu.memory_space<hbm>>) dst(%arg10 : memref<128x128xf32, #tpu.memory_space<vmem>>)
      "tpu.region"() ({
        %run_scoped3A = tpu.sem_alloc : memref<!tpu.dma_semaphore, #tpu.memory_space<semaphore_mem>>
        %dma_start3A_90 = arith.constant 0 : i32
        %dma_start3A_91 = arith.constant 0 : i32
        %dma_start3A_92 = tpu.memref_slice %arg15[%dma_start3A_90, %dma_start3A_91] : memref<10240x128xf32, #tpu.memory_space<vmem_shared>> -> memref<10240x128xf32, #tpu.memory_space<vmem_shared>>
        tpu.enqueue_indirect_dma source(%arg10 : memref<128x128xf32, #tpu.memory_space<vmem>>) target(%dma_start3A_92 : memref<10240x128xf32, #tpu.memory_space<vmem_shared>>) offsets(%arg12 : memref<128xi32, #tpu.memory_space<vmem>>) semaphore(%run_scoped3A : memref<!tpu.dma_semaphore, #tpu.memory_space<semaphore_mem>>) {add = true}
        %dma_wait3A_93 = arith.constant 0 : i32
        %dma_wait3A_94 = arith.constant 0 : i32
        %dma_wait3A_95 = tpu.memref_slice %arg15[%dma_wait3A_93, %dma_wait3A_94] : memref<10240x128xf32, #tpu.memory_space<vmem_shared>> -> memref<10240x128xf32, #tpu.memory_space<vmem_shared>>
        tpu.wait_indirect_dma semaphore(%run_scoped3A : memref<!tpu.dma_semaphore, #tpu.memory_space<semaphore_mem>>) src(%arg10 : memref<128x128xf32, #tpu.memory_space<vmem>>) dst(%dma_wait3A_95 : memref<10240x128xf32, #tpu.memory_space<vmem_shared>>)
        tpu.yield
      }) : () -> ()
      "tpu.region"() ({
        %run_scoped3A = tpu.sem_alloc : memref<!tpu.dma_semaphore, #tpu.memory_space<semaphore_mem>>
        %dma_start3A_90 = arith.constant 0 : i32
        %dma_start3A_91 = tpu.memref_slice %arg21[%dma_start3A_90] : memref<10240xf32, #tpu.memory_space<vmem_shared>> -> memref<10240xf32, #tpu.memory_space<vmem_shared>>
        tpu.enqueue_indirect_dma source(%arg20 : memref<128xf32, #tpu.memory_space<vmem>>) target(%dma_start3A_91 : memref<10240xf32, #tpu.memory_space<vmem_shared>>) offsets(%arg12 : memref<128xi32, #tpu.memory_space<vmem>>) semaphore(%run_scoped3A : memref<!tpu.dma_semaphore, #tpu.memory_space<semaphore_mem>>) {add = true}
        %dma_wait3A_92 = arith.constant 0 : i32
        %dma_wait3A_93 = tpu.memref_slice %arg21[%dma_wait3A_92] : memref<10240xf32, #tpu.memory_space<vmem_shared>> -> memref<10240xf32, #tpu.memory_space<vmem_shared>>
        tpu.wait_indirect_dma semaphore(%run_scoped3A : memref<!tpu.dma_semaphore, #tpu.memory_space<semaphore_mem>>) src(%arg20 : memref<128xf32, #tpu.memory_space<vmem>>) dst(%dma_wait3A_93 : memref<10240xf32, #tpu.memory_space<vmem_shared>>)
        tpu.yield
      }) : () -> ()
      %lt3A = arith.constant 38 : i32
      %lt3A_73 = arith.cmpi slt, %scan3A_62, %lt3A : i32
      %convert_element_type3A = arith.extui %lt3A_73 : i1 to i32
      %cond3A = arith.constant 0 : i32
      %cond3A_74 = arith.cmpi ne, %convert_element_type3A, %cond3A : i32
      scf.if %cond3A_74 {
        %mul3A_90 = arith.constant 2 : i32
        %mul3A_91 = arith.muli %mul3A_90, %scan3A_62 : i32
        %add3A_92 = arith.constant 2 : i32
        %add3A_93 = arith.addi %mul3A_91, %add3A_92 : i32
        %add3A_94 = arith.constant 320000 : i32
        %add3A_95 = arith.addi %add3A_94, %mul3A_2 : i32
        %mul3A_96 = arith.constant 128 : i32
        %mul3A_97 = arith.muli %add3A_93, %mul3A_96 : i32
        %add3A_98 = arith.addi %add3A_95, %mul3A_97 : i32
        %dma_start3A_99 = tpu.memref_slice %arg3[%add3A_98] : memref<640000xi32, #tpu.memory_space<hbm>> -> memref<128xi32, #tpu.memory_space<hbm>>
        %dma_start3A_100 = tpu.memref_slice %arg3[%add3A_98] : memref<640000xi32, #tpu.memory_space<hbm>> -> memref<128xi32, #tpu.memory_space<hbm>>
        tpu.enqueue_dma source(%dma_start3A_100 : memref<128xi32, #tpu.memory_space<hbm>>) target(%arg12 : memref<128xi32, #tpu.memory_space<vmem>>) target_semaphore(%arg18 : memref<!tpu.dma_semaphore, #tpu.memory_space<semaphore_mem>>)
        %mul3A_101 = arith.constant 128 : i32
        %mul3A_102 = arith.muli %add3A_93, %mul3A_101 : i32
        %dma_start3A_103 = tpu.memref_slice %arg9[%mul3A_102] : memref<10000xi32, #tpu.memory_space<vmem>> -> memref<128xi32, #tpu.memory_space<vmem>>
        %dma_start3A_104 = arith.constant 0 : i32
        %dma_start3A_105 = arith.constant 0 : i32
        %dma_start3A_106 = tpu.memref_slice %arg2[%dma_start3A_104, %dma_start3A_105] : memref<10000x128xf32, #tpu.memory_space<hbm>> -> memref<10000x128xf32, #tpu.memory_space<hbm>>
        tpu.enqueue_indirect_dma source(%dma_start3A_106 : memref<10000x128xf32, #tpu.memory_space<hbm>>) target(%arg10 : memref<128x128xf32, #tpu.memory_space<vmem>>) offsets(%dma_start3A_103 : memref<128xi32, #tpu.memory_space<vmem>>) semaphore(%arg16 : memref<!tpu.dma_semaphore, #tpu.memory_space<semaphore_mem>>)
      } else {
      }
      %dma_wait3A_75 = arith.constant 320000 : i32
      %dma_wait3A_76 = tpu.memref_slice %arg3[%dma_wait3A_75] : memref<640000xi32, #tpu.memory_space<hbm>> -> memref<128xi32, #tpu.memory_space<hbm>>
      %dma_wait3A_77 = arith.constant 320000 : i32
      %dma_wait3A_78 = tpu.memref_slice %arg3[%dma_wait3A_77] : memref<640000xi32, #tpu.memory_space<hbm>> -> memref<128xi32, #tpu.memory_space<hbm>>
      tpu.wait_dma2 semaphore(%arg19 : memref<!tpu.dma_semaphore, #tpu.memory_space<semaphore_mem>>) src(%dma_wait3A_78 : memref<128xi32, #tpu.memory_space<hbm>>) dst(%arg13 : memref<128xi32, #tpu.memory_space<vmem>>)
      %dma_wait3A_79 = arith.constant 0 : i32
      %dma_wait3A_80 = tpu.memref_slice %arg9[%dma_wait3A_79] : memref<10000xi32, #tpu.memory_space<vmem>> -> memref<128xi32, #tpu.memory_space<vmem>>
      %dma_wait3A_81 = arith.constant 0 : i32
      %dma_wait3A_82 = arith.constant 0 : i32
      %dma_wait3A_83 = tpu.memref_slice %arg2[%dma_wait3A_81, %dma_wait3A_82] : memref<10000x128xf32, #tpu.memory_space<hbm>> -> memref<10000x128xf32, #tpu.memory_space<hbm>>
      tpu.wait_indirect_dma semaphore(%arg17 : memref<!tpu.dma_semaphore, #tpu.memory_space<semaphore_mem>>) src(%dma_wait3A_83 : memref<10000x128xf32, #tpu.memory_space<hbm>>) dst(%arg11 : memref<128x128xf32, #tpu.memory_space<vmem>>)
      "tpu.region"() ({
        %run_scoped3A = tpu.sem_alloc : memref<!tpu.dma_semaphore, #tpu.memory_space<semaphore_mem>>
        %dma_start3A_90 = arith.constant 0 : i32
        %dma_start3A_91 = arith.constant 0 : i32
        %dma_start3A_92 = tpu.memref_slice %arg15[%dma_start3A_90, %dma_start3A_91] : memref<10240x128xf32, #tpu.memory_space<vmem_shared>> -> memref<10240x128xf32, #tpu.memory_space<vmem_shared>>
        tpu.enqueue_indirect_dma source(%arg11 : memref<128x128xf32, #tpu.memory_space<vmem>>) target(%dma_start3A_92 : memref<10240x128xf32, #tpu.memory_space<vmem_shared>>) offsets(%arg13 : memref<128xi32, #tpu.memory_space<vmem>>) semaphore(%run_scoped3A : memref<!tpu.dma_semaphore, #tpu.memory_space<semaphore_mem>>) {add = true}
        %dma_wait3A_93 = arith.constant 0 : i32
        %dma_wait3A_94 = arith.constant 0 : i32
        %dma_wait3A_95 = tpu.memref_slice %arg15[%dma_wait3A_93, %dma_wait3A_94] : memref<10240x128xf32, #tpu.memory_space<vmem_shared>> -> memref<10240x128xf32, #tpu.memory_space<vmem_shared>>
        tpu.wait_indirect_dma semaphore(%run_scoped3A : memref<!tpu.dma_semaphore, #tpu.memory_space<semaphore_mem>>) src(%arg11 : memref<128x128xf32, #tpu.memory_space<vmem>>) dst(%dma_wait3A_95 : memref<10240x128xf32, #tpu.memory_space<vmem_shared>>)
        tpu.yield
      }) : () -> ()
      "tpu.region"() ({
        %run_scoped3A = tpu.sem_alloc : memref<!tpu.dma_semaphore, #tpu.memory_space<semaphore_mem>>
        %dma_start3A_90 = arith.constant 0 : i32
        %dma_start3A_91 = tpu.memref_slice %arg21[%dma_start3A_90] : memref<10240xf32, #tpu.memory_space<vmem_shared>> -> memref<10240xf32, #tpu.memory_space<vmem_shared>>
        tpu.enqueue_indirect_dma source(%arg20 : memref<128xf32, #tpu.memory_space<vmem>>) target(%dma_start3A_91 : memref<10240xf32, #tpu.memory_space<vmem_shared>>) offsets(%arg13 : memref<128xi32, #tpu.memory_space<vmem>>) semaphore(%run_scoped3A : memref<!tpu.dma_semaphore, #tpu.memory_space<semaphore_mem>>) {add = true}
        %dma_wait3A_92 = arith.constant 0 : i32
        %dma_wait3A_93 = tpu.memref_slice %arg21[%dma_wait3A_92] : memref<10240xf32, #tpu.memory_space<vmem_shared>> -> memref<10240xf32, #tpu.memory_space<vmem_shared>>
        tpu.wait_indirect_dma semaphore(%run_scoped3A : memref<!tpu.dma_semaphore, #tpu.memory_space<semaphore_mem>>) src(%arg20 : memref<128xf32, #tpu.memory_space<vmem>>) dst(%dma_wait3A_93 : memref<10240xf32, #tpu.memory_space<vmem_shared>>)
        tpu.yield
      }) : () -> ()
      %lt3A_84 = arith.constant 38 : i32
      %lt3A_85 = arith.cmpi slt, %scan3A_62, %lt3A_84 : i32
      %convert_element_type3A_86 = arith.extui %lt3A_85 : i1 to i32
      %cond3A_87 = arith.constant 0 : i32
      %cond3A_88 = arith.cmpi ne, %convert_element_type3A_86, %cond3A_87 : i32
      scf.if %cond3A_88 {
        %mul3A_90 = arith.constant 2 : i32
        %mul3A_91 = arith.muli %mul3A_90, %scan3A_62 : i32
        %add3A_92 = arith.constant 3 : i32
        %add3A_93 = arith.addi %mul3A_91, %add3A_92 : i32
        %add3A_94 = arith.constant 320000 : i32
        %add3A_95 = arith.addi %add3A_94, %mul3A_2 : i32
        %mul3A_96 = arith.constant 128 : i32
        %mul3A_97 = arith.muli %add3A_93, %mul3A_96 : i32
        %add3A_98 = arith.addi %add3A_95, %mul3A_97 : i32
        %dma_start3A_99 = tpu.memref_slice %arg3[%add3A_98] : memref<640000xi32, #tpu.memory_space<hbm>> -> memref<128xi32, #tpu.memory_space<hbm>>
        %dma_start3A_100 = tpu.memref_slice %arg3[%add3A_98] : memref<640000xi32, #tpu.memory_space<hbm>> -> memref<128xi32, #tpu.memory_space<hbm>>
        tpu.enqueue_dma source(%dma_start3A_100 : memref<128xi32, #tpu.memory_space<hbm>>) target(%arg13 : memref<128xi32, #tpu.memory_space<vmem>>) target_semaphore(%arg19 : memref<!tpu.dma_semaphore, #tpu.memory_space<semaphore_mem>>)
        %mul3A_101 = arith.constant 128 : i32
        %mul3A_102 = arith.muli %add3A_93, %mul3A_101 : i32
        %dma_start3A_103 = tpu.memref_slice %arg9[%mul3A_102] : memref<10000xi32, #tpu.memory_space<vmem>> -> memref<128xi32, #tpu.memory_space<vmem>>
        %dma_start3A_104 = arith.constant 0 : i32
        %dma_start3A_105 = arith.constant 0 : i32
        %dma_start3A_106 = tpu.memref_slice %arg2[%dma_start3A_104, %dma_start3A_105] : memref<10000x128xf32, #tpu.memory_space<hbm>> -> memref<10000x128xf32, #tpu.memory_space<hbm>>
        tpu.enqueue_indirect_dma source(%dma_start3A_106 : memref<10000x128xf32, #tpu.memory_space<hbm>>) target(%arg11 : memref<128x128xf32, #tpu.memory_space<vmem>>) offsets(%dma_start3A_103 : memref<128xi32, #tpu.memory_space<vmem>>) semaphore(%arg17 : memref<!tpu.dma_semaphore, #tpu.memory_space<semaphore_mem>>)
      } else {
      }
      %scan3A_89 = arith.constant 0 : i32
      scf.yield %scan3A_89 : i32
    }
    %scan3A_33 = arith.constant 39 : i32
    %add3A_34 = arith.constant 320000 : i32
    %add3A_35 = arith.addi %add3A_34, %mul3A_2 : i32
    %add3A_36 = arith.constant 9984 : i32
    %add3A_37 = arith.addi %add3A_35, %add3A_36 : i32
    "tpu.region"() ({
      %run_scoped3A = tpu.sem_alloc : memref<!tpu.dma_semaphore, #tpu.memory_space<semaphore_mem>>
      %dma_start3A_62 = tpu.memref_slice %arg3[%add3A_37] : memref<640000xi32, #tpu.memory_space<hbm>> -> memref<16xi32, #tpu.memory_space<hbm>>
      %dma_start3A_63 = tpu.memref_slice %arg3[%add3A_37] : memref<640000xi32, #tpu.memory_space<hbm>> -> memref<16xi32, #tpu.memory_space<hbm>>
      tpu.enqueue_dma source(%dma_start3A_63 : memref<16xi32, #tpu.memory_space<hbm>>) target(%arg14 : memref<16xi32, #tpu.memory_space<vmem>>) target_semaphore(%run_scoped3A : memref<!tpu.dma_semaphore, #tpu.memory_space<semaphore_mem>>)
      %dma_wait3A_64 = tpu.memref_slice %arg3[%add3A_37] : memref<640000xi32, #tpu.memory_space<hbm>> -> memref<16xi32, #tpu.memory_space<hbm>>
      %dma_wait3A_65 = tpu.memref_slice %arg3[%add3A_37] : memref<640000xi32, #tpu.memory_space<hbm>> -> memref<16xi32, #tpu.memory_space<hbm>>
      tpu.wait_dma2 semaphore(%run_scoped3A : memref<!tpu.dma_semaphore, #tpu.memory_space<semaphore_mem>>) src(%dma_wait3A_65 : memref<16xi32, #tpu.memory_space<hbm>>) dst(%arg14 : memref<16xi32, #tpu.memory_space<vmem>>)
      tpu.yield
    }) : () -> ()
    %dma_start3A_38 = arith.constant 0 : i32
    %dma_start3A_39 = arith.constant 0 : i32
    %dma_start3A_40 = tpu.memref_slice %arg10[%dma_start3A_38, %dma_start3A_39] : memref<128x128xf32, #tpu.memory_space<vmem>> -> memref<16x128xf32, #tpu.memory_space<vmem>>
    %dma_start3A_41 = arith.constant 9984 : i32
    %dma_start3A_42 = tpu.memref_slice %arg9[%dma_start3A_41] : memref<10000xi32, #tpu.memory_space<vmem>> -> memref<16xi32, #tpu.memory_space<vmem>>
    %dma_start3A_43 = arith.constant 0 : i32
    %dma_start3A_44 = arith.constant 0 : i32
    %dma_start3A_45 = tpu.memref_slice %arg2[%dma_start3A_43, %dma_start3A_44] : memref<10000x128xf32, #tpu.memory_space<hbm>> -> memref<10000x128xf32, #tpu.memory_space<hbm>>
    tpu.enqueue_indirect_dma source(%dma_start3A_45 : memref<10000x128xf32, #tpu.memory_space<hbm>>) target(%dma_start3A_40 : memref<16x128xf32, #tpu.memory_space<vmem>>) offsets(%dma_start3A_42 : memref<16xi32, #tpu.memory_space<vmem>>) semaphore(%arg16 : memref<!tpu.dma_semaphore, #tpu.memory_space<semaphore_mem>>)
    %dma_wait3A = arith.constant 0 : i32
    %dma_wait3A_46 = arith.constant 0 : i32
    %dma_wait3A_47 = tpu.memref_slice %arg10[%dma_wait3A, %dma_wait3A_46] : memref<128x128xf32, #tpu.memory_space<vmem>> -> memref<16x128xf32, #tpu.memory_space<vmem>>
    %dma_wait3A_48 = arith.constant 9984 : i32
    %dma_wait3A_49 = tpu.memref_slice %arg9[%dma_wait3A_48] : memref<10000xi32, #tpu.memory_space<vmem>> -> memref<16xi32, #tpu.memory_space<vmem>>
    %dma_wait3A_50 = arith.constant 0 : i32
    %dma_wait3A_51 = arith.constant 0 : i32
    %dma_wait3A_52 = tpu.memref_slice %arg2[%dma_wait3A_50, %dma_wait3A_51] : memref<10000x128xf32, #tpu.memory_space<hbm>> -> memref<10000x128xf32, #tpu.memory_space<hbm>>
    tpu.wait_indirect_dma semaphore(%arg16 : memref<!tpu.dma_semaphore, #tpu.memory_space<semaphore_mem>>) src(%dma_wait3A_52 : memref<10000x128xf32, #tpu.memory_space<hbm>>) dst(%dma_wait3A_47 : memref<16x128xf32, #tpu.memory_space<vmem>>)
    "tpu.region"() ({
      %run_scoped3A = tpu.sem_alloc : memref<!tpu.dma_semaphore, #tpu.memory_space<semaphore_mem>>
      %dma_start3A_62 = arith.constant 0 : i32
      %dma_start3A_63 = arith.constant 0 : i32
      %dma_start3A_64 = tpu.memref_slice %arg10[%dma_start3A_62, %dma_start3A_63] : memref<128x128xf32, #tpu.memory_space<vmem>> -> memref<16x128xf32, #tpu.memory_space<vmem>>
      %dma_start3A_65 = arith.constant 0 : i32
      %dma_start3A_66 = arith.constant 0 : i32
      %dma_start3A_67 = tpu.memref_slice %arg15[%dma_start3A_65, %dma_start3A_66] : memref<10240x128xf32, #tpu.memory_space<vmem_shared>> -> memref<10240x128xf32, #tpu.memory_space<vmem_shared>>
      tpu.enqueue_indirect_dma source(%dma_start3A_64 : memref<16x128xf32, #tpu.memory_space<vmem>>) target(%dma_start3A_67 : memref<10240x128xf32, #tpu.memory_space<vmem_shared>>) offsets(%arg14 : memref<16xi32, #tpu.memory_space<vmem>>) semaphore(%run_scoped3A : memref<!tpu.dma_semaphore, #tpu.memory_space<semaphore_mem>>) {add = true}
      %dma_wait3A_68 = arith.constant 0 : i32
      %dma_wait3A_69 = arith.constant 0 : i32
      %dma_wait3A_70 = tpu.memref_slice %arg10[%dma_wait3A_68, %dma_wait3A_69] : memref<128x128xf32, #tpu.memory_space<vmem>> -> memref<16x128xf32, #tpu.memory_space<vmem>>
      %dma_wait3A_71 = arith.constant 0 : i32
      %dma_wait3A_72 = arith.constant 0 : i32
      %dma_wait3A_73 = tpu.memref_slice %arg15[%dma_wait3A_71, %dma_wait3A_72] : memref<10240x128xf32, #tpu.memory_space<vmem_shared>> -> memref<10240x128xf32, #tpu.memory_space<vmem_shared>>
      tpu.wait_indirect_dma semaphore(%run_scoped3A : memref<!tpu.dma_semaphore, #tpu.memory_space<semaphore_mem>>) src(%dma_wait3A_70 : memref<16x128xf32, #tpu.memory_space<vmem>>) dst(%dma_wait3A_73 : memref<10240x128xf32, #tpu.memory_space<vmem_shared>>)
      tpu.yield
    }) : () -> ()
    "tpu.region"() ({
      %run_scoped3A = tpu.sem_alloc : memref<!tpu.dma_semaphore, #tpu.memory_space<semaphore_mem>>
      %dma_start3A_62 = arith.constant 0 : i32
      %dma_start3A_63 = tpu.memref_slice %arg20[%dma_start3A_62] : memref<128xf32, #tpu.memory_space<vmem>> -> memref<16xf32, #tpu.memory_space<vmem>>
      %dma_start3A_64 = arith.constant 0 : i32
      %dma_start3A_65 = tpu.memref_slice %arg21[%dma_start3A_64] : memref<10240xf32, #tpu.memory_space<vmem_shared>> -> memref<10240xf32, #tpu.memory_space<vmem_shared>>
      tpu.enqueue_indirect_dma source(%dma_start3A_63 : memref<16xf32, #tpu.memory_space<vmem>>) target(%dma_start3A_65 : memref<10240xf32, #tpu.memory_space<vmem_shared>>) offsets(%arg14 : memref<16xi32, #tpu.memory_space<vmem>>) semaphore(%run_scoped3A : memref<!tpu.dma_semaphore, #tpu.memory_space<semaphore_mem>>) {add = true}
      %dma_wait3A_66 = arith.constant 0 : i32
      %dma_wait3A_67 = tpu.memref_slice %arg20[%dma_wait3A_66] : memref<128xf32, #tpu.memory_space<vmem>> -> memref<16xf32, #tpu.memory_space<vmem>>
      %dma_wait3A_68 = arith.constant 0 : i32
      %dma_wait3A_69 = tpu.memref_slice %arg21[%dma_wait3A_68] : memref<10240xf32, #tpu.memory_space<vmem_shared>> -> memref<10240xf32, #tpu.memory_space<vmem_shared>>
      tpu.wait_indirect_dma semaphore(%run_scoped3A : memref<!tpu.dma_semaphore, #tpu.memory_space<semaphore_mem>>) src(%dma_wait3A_67 : memref<16xf32, #tpu.memory_space<vmem>>) dst(%dma_wait3A_69 : memref<10240xf32, #tpu.memory_space<vmem_shared>>)
      tpu.yield
    }) : () -> ()
    %barrier3A_53 = arith.constant 0 : index
    tpu.barrier barrier_id(%barrier3A_53)
    %mul3A_54 = arith.constant 640 : i32
    %mul3A_55 = arith.muli %arg1, %mul3A_54 : i32
    %mul3A_56 = arith.constant 640 : i32
    %mul3A_57 = arith.muli %arg1, %mul3A_56 : i32
    "tpu.region"() ({
      %run_scoped3A = tpu.sem_alloc : memref<!tpu.dma_semaphore, #tpu.memory_space<semaphore_mem>>
      %dma_start3A_62 = arith.constant 0 : i32
      %dma_start3A_63 = tpu.memref_slice %arg7[%arg0, %mul3A_57, %dma_start3A_62] : memref<2x10240x128xf32, #tpu.memory_space<hbm>> -> memref<1x640x128xf32, #tpu.memory_space<hbm>>
      %dma_start3A_64 = tpu.memref_squeeze %dma_start3A_63 : memref<1x640x128xf32, #tpu.memory_space<hbm>> -> memref<640x128xf32, #tpu.memory_space<hbm>>
      %dma_start3A_65 = arith.constant 0 : i32
      %dma_start3A_66 = tpu.memref_slice %arg15[%mul3A_55, %dma_start3A_65] : memref<10240x128xf32, #tpu.memory_space<vmem_shared>> -> memref<640x128xf32, #tpu.memory_space<vmem_shared>>
      tpu.enqueue_dma source(%dma_start3A_66 : memref<640x128xf32, #tpu.memory_space<vmem_shared>>) target(%dma_start3A_64 : memref<640x128xf32, #tpu.memory_space<hbm>>) target_semaphore(%run_scoped3A : memref<!tpu.dma_semaphore, #tpu.memory_space<semaphore_mem>>)
      %dma_wait3A_67 = arith.constant 0 : i32
      %dma_wait3A_68 = tpu.memref_slice %arg7[%arg0, %mul3A_57, %dma_wait3A_67] : memref<2x10240x128xf32, #tpu.memory_space<hbm>> -> memref<1x640x128xf32, #tpu.memory_space<hbm>>
      %dma_wait3A_69 = tpu.memref_squeeze %dma_wait3A_68 : memref<1x640x128xf32, #tpu.memory_space<hbm>> -> memref<640x128xf32, #tpu.memory_space<hbm>>
      %dma_wait3A_70 = arith.constant 0 : i32
      %dma_wait3A_71 = tpu.memref_slice %arg15[%mul3A_55, %dma_wait3A_70] : memref<10240x128xf32, #tpu.memory_space<vmem_shared>> -> memref<640x128xf32, #tpu.memory_space<vmem_shared>>
      tpu.wait_dma2 semaphore(%run_scoped3A : memref<!tpu.dma_semaphore, #tpu.memory_space<semaphore_mem>>) src(%dma_wait3A_71 : memref<640x128xf32, #tpu.memory_space<vmem_shared>>) dst(%dma_wait3A_69 : memref<640x128xf32, #tpu.memory_space<hbm>>)
      tpu.yield
    }) : () -> ()
    %mul3A_58 = arith.constant 640 : i32
    %mul3A_59 = arith.muli %arg1, %mul3A_58 : i32
    %mul3A_60 = arith.constant 640 : i32
    %mul3A_61 = arith.muli %arg1, %mul3A_60 : i32
    "tpu.region"() ({
      %run_scoped3A = tpu.sem_alloc : memref<!tpu.dma_semaphore, #tpu.memory_space<semaphore_mem>>
      %dma_start3A_62 = tpu.memref_slice %arg8[%arg0, %mul3A_61] : memref<2x10240xf32, #tpu.memory_space<hbm>> -> memref<1x640xf32, #tpu.memory_space<hbm>>
      %dma_start3A_63 = tpu.memref_squeeze %dma_start3A_62 : memref<1x640xf32, #tpu.memory_space<hbm>> -> memref<640xf32, #tpu.memory_space<hbm>>
      %dma_start3A_64 = tpu.memref_slice %arg21[%mul3A_59] : memref<10240xf32, #tpu.memory_space<vmem_shared>> -> memref<640xf32, #tpu.memory_space<vmem_shared>>
      tpu.enqueue_dma source(%dma_start3A_64 : memref<640xf32, #tpu.memory_space<vmem_shared>>) target(%dma_start3A_63 : memref<640xf32, #tpu.memory_space<hbm>>) target_semaphore(%run_scoped3A : memref<!tpu.dma_semaphore, #tpu.memory_space<semaphore_mem>>)
      %dma_wait3A_65 = tpu.memref_slice %arg8[%arg0, %mul3A_61] : memref<2x10240xf32, #tpu.memory_space<hbm>> -> memref<1x640xf32, #tpu.memory_space<hbm>>
      %dma_wait3A_66 = tpu.memref_squeeze %dma_wait3A_65 : memref<1x640xf32, #tpu.memory_space<hbm>> -> memref<640xf32, #tpu.memory_space<hbm>>
      %dma_wait3A_67 = tpu.memref_slice %arg21[%mul3A_59] : memref<10240xf32, #tpu.memory_space<vmem_shared>> -> memref<640xf32, #tpu.memory_space<vmem_shared>>
      tpu.wait_dma2 semaphore(%run_scoped3A : memref<!tpu.dma_semaphore, #tpu.memory_space<semaphore_mem>>) src(%dma_wait3A_67 : memref<640xf32, #tpu.memory_space<vmem_shared>>) dst(%dma_wait3A_66 : memref<640xf32, #tpu.memory_space<hbm>>)
      tpu.yield
    }) : () -> ()
    return
  }
}

module attributes {stable_mosaic.version = 14 : i64} {
  func.func @_pre_body(%arg0: memref<10000x128xf32, #tpu.memory_space<vmem>>, %arg1: memref<128x128xf32, #tpu.memory_space<vmem>>, %arg2: memref<1x128xf32, #tpu.memory_space<vmem>>, %arg3: memref<1x128xf32, #tpu.memory_space<vmem>>, %arg4: memref<1x128xf32, #tpu.memory_space<vmem>>, %arg5: memref<1x1xf32, #tpu.memory_space<vmem>>, %arg6: memref<10000x128xf32, #tpu.memory_space<vmem>>) attributes {dimension_semantics = [], scalar_prefetch = 0 : i64, scratch_operands = 0 : i64, tpu.core_type = #tpu.core_type<tc>} {
    %get3A = arith.constant 0 : index
    %get3A_0 = arith.constant 0 : index
    %get3A_1 = vector.load %arg0[%get3A, %get3A_0] : memref<10000x128xf32, #tpu.memory_space<vmem>>, vector<10000x128xf32>
    %get3A_2 = arith.constant 0 : index
    %get3A_3 = arith.constant 0 : index
    %get3A_4 = vector.load %arg1[%get3A_2, %get3A_3] : memref<128x128xf32, #tpu.memory_space<vmem>>, vector<128x128xf32>
    %convert_element_type3A = arith.truncf %get3A_1 : vector<10000x128xf32> to vector<10000x128xbf16>
    %convert_element_type3A_5 = arith.truncf %get3A_4 : vector<128x128xf32> to vector<128x128xbf16>
    %dot_general3A = arith.constant dense<0.000000e+00> : vector<10000x128xf32>
    %dot_general3A_6 = tpu.matmul %convert_element_type3A, %convert_element_type3A_5, %dot_general3A {dimension_numbers = #tpu.dot_dimension_numbers<[1], [0], [0], [1], [0, 0, 1, 1], [], []>, transpose_lhs_hint = false} : vector<10000x128xbf16>, vector<128x128xbf16>, vector<10000x128xf32> -> vector<10000x128xf32>
    %get3A_7 = arith.constant 0 : index
    %get3A_8 = arith.constant 0 : index
    %get3A_9 = vector.load %arg2[%get3A_7, %get3A_8] : memref<1x128xf32, #tpu.memory_space<vmem>>, vector<1x128xf32>
    %add3A = vector.broadcast %get3A_9 : vector<1x128xf32> to vector<10000x128xf32>
    %add3A_10 = arith.addf %dot_general3A_6, %add3A : vector<10000x128xf32>
    %reduce_sum3A = arith.constant dense<0.000000e+00> : vector<128xf32>
    %reduce_sum3A_11 = vector.multi_reduction <add>, %add3A_10, %reduce_sum3A [0] : vector<10000x128xf32> to vector<128xf32>
    %broadcast_in_dim3A = vector.shape_cast %reduce_sum3A_11 : vector<128xf32> to vector<1x128xf32>
    %div3A = arith.constant 1.000000e+04 : f32
    %div3A_12 = vector.broadcast %div3A : f32 to vector<1x128xf32>
    %div3A_13 = arith.divf %broadcast_in_dim3A, %div3A_12 : vector<1x128xf32>
    %sub3A = vector.broadcast %div3A_13 : vector<1x128xf32> to vector<10000x128xf32>
    %sub3A_14 = arith.subf %add3A_10, %sub3A : vector<10000x128xf32>
    %sub3A_15 = vector.broadcast %div3A_13 : vector<1x128xf32> to vector<10000x128xf32>
    %sub3A_16 = arith.subf %add3A_10, %sub3A_15 : vector<10000x128xf32>
    %mul3A = arith.mulf %sub3A_14, %sub3A_16 : vector<10000x128xf32>
    %reduce_sum3A_17 = arith.constant dense<0.000000e+00> : vector<128xf32>
    %reduce_sum3A_18 = vector.multi_reduction <add>, %mul3A, %reduce_sum3A_17 [0] : vector<10000x128xf32> to vector<128xf32>
    %broadcast_in_dim3A_19 = vector.shape_cast %reduce_sum3A_18 : vector<128xf32> to vector<1x128xf32>
    %div3A_20 = arith.constant 1.000000e+04 : f32
    %div3A_21 = vector.broadcast %div3A_20 : f32 to vector<1x128xf32>
    %div3A_22 = arith.divf %broadcast_in_dim3A_19, %div3A_21 : vector<1x128xf32>
    %sub3A_23 = vector.broadcast %div3A_13 : vector<1x128xf32> to vector<10000x128xf32>
    %sub3A_24 = arith.subf %add3A_10, %sub3A_23 : vector<10000x128xf32>
    %add3A_25 = arith.constant 9.99999974E-6 : f32
    %add3A_26 = vector.broadcast %add3A_25 : f32 to vector<1x128xf32>
    %add3A_27 = arith.addf %div3A_22, %add3A_26 : vector<1x128xf32>
    %rsqrt3A = math.rsqrt %add3A_27 : vector<1x128xf32>
    %mul3A_28 = vector.broadcast %rsqrt3A : vector<1x128xf32> to vector<10000x128xf32>
    %mul3A_29 = arith.mulf %sub3A_24, %mul3A_28 : vector<10000x128xf32>
    %get3A_30 = arith.constant 0 : index
    %get3A_31 = arith.constant 0 : index
    %get3A_32 = vector.load %arg3[%get3A_30, %get3A_31] : memref<1x128xf32, #tpu.memory_space<vmem>>, vector<1x128xf32>
    %mul3A_33 = vector.broadcast %get3A_32 : vector<1x128xf32> to vector<10000x128xf32>
    %mul3A_34 = arith.mulf %mul3A_29, %mul3A_33 : vector<10000x128xf32>
    %get3A_35 = arith.constant 0 : index
    %get3A_36 = arith.constant 0 : index
    %get3A_37 = vector.load %arg4[%get3A_35, %get3A_36] : memref<1x128xf32, #tpu.memory_space<vmem>>, vector<1x128xf32>
    %add3A_38 = vector.broadcast %get3A_37 : vector<1x128xf32> to vector<10000x128xf32>
    %add3A_39 = arith.addf %mul3A_34, %add3A_38 : vector<10000x128xf32>
    %ge3A = arith.constant 0.000000e+00 : f32
    %ge3A_40 = vector.broadcast %ge3A : f32 to vector<10000x128xf32>
    %ge3A_41 = arith.cmpf oge, %add3A_39, %ge3A_40 : vector<10000x128xf32>
    %get3A_42 = arith.constant 0 : index
    %get3A_43 = arith.constant 0 : index
    %get3A_44 = vector.load %arg5[%get3A_42, %get3A_43] : memref<1x1xf32, #tpu.memory_space<vmem>>, vector<1x1xf32>
    %get3A_45 = vector.extract %get3A_44[0, 0] : f32 from vector<1x1xf32>
    %mul3A_46 = vector.broadcast %get3A_45 : f32 to vector<10000x128xf32>
    %mul3A_47 = arith.mulf %mul3A_46, %add3A_39 : vector<10000x128xf32>
    %select_n3A = arith.select %ge3A_41, %add3A_39, %mul3A_47 : vector<10000x128xi1>, vector<10000x128xf32>
    %swap3A = arith.constant 0 : index
    %swap3A_48 = arith.constant 0 : index
    %swap3A_49 = vector.load %arg6[%swap3A, %swap3A_48] : memref<10000x128xf32, #tpu.memory_space<vmem>>, vector<10000x128xf32>
    tpu.vector_store %arg6[%swap3A, %swap3A_48], %select_n3A {strides = array<i32>} : memref<10000x128xf32, #tpu.memory_space<vmem>>, vector<10000x128xf32>,
    return
  }
}

module attributes {stable_mosaic.version = 14 : i64} {
  func.func @_layer_body(%arg0: i32, %arg1: memref<2x1000x128xf32, #tpu.memory_space<vmem>>, %arg2: memref<2x1000x1xf32, #tpu.memory_space<vmem>>, %arg3: memref<1x1000x128xf32, #tpu.memory_space<vmem>>, %arg4: memref<1x128x128xf32, #tpu.memory_space<vmem>>, %arg5: memref<1x1x128xf32, #tpu.memory_space<vmem>>, %arg6: memref<1x128x384xf32, #tpu.memory_space<vmem>>, %arg7: memref<1x1x384xf32, #tpu.memory_space<vmem>>, %arg8: memref<1x128x384xf32, #tpu.memory_space<vmem>>, %arg9: memref<1x1x384xf32, #tpu.memory_space<vmem>>, %arg10: memref<1000x128xf32, #tpu.memory_space<vmem>>) attributes {dimension_semantics = [#tpu.dimension_semantics<arbitrary>], iteration_bounds = array<i64: 10>, scalar_prefetch = 0 : i64, scratch_operands = 0 : i64, tpu.core_type = #tpu.core_type<tc>, window_params = [{transform_indices = @transform_0, window_bounds = array<i64: 2, 1000, 128>}, {transform_indices = @transform_1, window_bounds = array<i64: 2, 1000, 1>}, {transform_indices = @transform_2, window_bounds = array<i64: 1, 1000, 128>}, {transform_indices = @transform_3, window_bounds = array<i64: 1, 128, 128>}, {transform_indices = @transform_4, window_bounds = array<i64: 1, 1, 128>}, {transform_indices = @transform_5, window_bounds = array<i64: 1, 128, 384>}, {transform_indices = @transform_6, window_bounds = array<i64: 1, 1, 384>}, {transform_indices = @transform_7, window_bounds = array<i64: 1, 128, 384>}, {transform_indices = @transform_8, window_bounds = array<i64: 1, 1, 384>}, {transform_indices = @transform_9, window_bounds = array<i64: 1000, 128>}]} {
    %get3A = arith.constant 0 : index
    %get3A_0 = arith.constant 0 : index
    %get3A_1 = arith.constant 0 : index
    %get3A_2 = vector.load %arg2[%get3A, %get3A_0, %get3A_1] : memref<2x1000x1xf32, #tpu.memory_space<vmem>>, vector<1x1000x1xf32>
    %get3A_3 = vector.shape_cast %get3A_2 : vector<1x1000x1xf32> to vector<1000x1xf32>
    %get3A_4 = arith.constant 1 : index
    %get3A_5 = arith.constant 0 : index
    %get3A_6 = arith.constant 0 : index
    %get3A_7 = vector.load %arg2[%get3A_4, %get3A_5, %get3A_6] : memref<2x1000x1xf32, #tpu.memory_space<vmem>>, vector<1x1000x1xf32>
    %get3A_8 = vector.shape_cast %get3A_7 : vector<1x1000x1xf32> to vector<1000x1xf32>
    %add3A = arith.addf %get3A_3, %get3A_8 : vector<1000x1xf32>
    %max3A = arith.constant 1.000000e+00 : f32
    %max3A_9 = vector.broadcast %max3A : f32 to vector<1000x1xf32>
    %max3A_10 = arith.maximumf %add3A, %max3A_9 : vector<1000x1xf32>
    %div3A = arith.constant 1.000000e+00 : f32
    %div3A_11 = vector.broadcast %div3A : f32 to vector<1000x1xf32>
    %div3A_12 = arith.divf %div3A_11, %max3A_10 : vector<1000x1xf32>
    %get3A_13 = arith.constant 0 : index
    %get3A_14 = arith.constant 0 : index
    %get3A_15 = arith.constant 0 : index
    %get3A_16 = vector.load %arg1[%get3A_13, %get3A_14, %get3A_15] : memref<2x1000x128xf32, #tpu.memory_space<vmem>>, vector<1x1000x128xf32>
    %get3A_17 = vector.shape_cast %get3A_16 : vector<1x1000x128xf32> to vector<1000x128xf32>
    %get3A_18 = arith.constant 1 : index
    %get3A_19 = arith.constant 0 : index
    %get3A_20 = arith.constant 0 : index
    %get3A_21 = vector.load %arg1[%get3A_18, %get3A_19, %get3A_20] : memref<2x1000x128xf32, #tpu.memory_space<vmem>>, vector<1x1000x128xf32>
    %get3A_22 = vector.shape_cast %get3A_21 : vector<1x1000x128xf32> to vector<1000x128xf32>
    %add3A_23 = arith.addf %get3A_17, %get3A_22 : vector<1000x128xf32>
    %mul3A = vector.broadcast %div3A_12 : vector<1000x1xf32> to vector<1000x128xf32>
    %mul3A_24 = arith.mulf %add3A_23, %mul3A : vector<1000x128xf32>
    %get3A_25 = arith.constant 0 : index
    %get3A_26 = arith.constant 0 : index
    %get3A_27 = arith.constant 0 : index
    %get3A_28 = vector.load %arg4[%get3A_25, %get3A_26, %get3A_27] : memref<1x128x128xf32, #tpu.memory_space<vmem>>, vector<1x128x128xf32>
    %get3A_29 = vector.shape_cast %get3A_28 : vector<1x128x128xf32> to vector<128x128xf32>
    %convert_element_type3A = arith.truncf %mul3A_24 : vector<1000x128xf32> to vector<1000x128xbf16>
    %convert_element_type3A_30 = arith.truncf %get3A_29 : vector<128x128xf32> to vector<128x128xbf16>
    %dot_general3A = arith.constant dense<0.000000e+00> : vector<1000x128xf32>
    %dot_general3A_31 = tpu.matmul %convert_element_type3A, %convert_element_type3A_30, %dot_general3A {dimension_numbers = #tpu.dot_dimension_numbers<[1], [0], [0], [1], [0, 0, 1, 1], [], []>, transpose_lhs_hint = false} : vector<1000x128xbf16>, vector<128x128xbf16>, vector<1000x128xf32> -> vector<1000x128xf32>
    %get3A_32 = arith.constant 0 : index
    %get3A_33 = arith.constant 0 : index
    %get3A_34 = arith.constant 0 : index
    %get3A_35 = vector.load %arg5[%get3A_32, %get3A_33, %get3A_34] : memref<1x1x128xf32, #tpu.memory_space<vmem>>, vector<1x1x128xf32>
    %get3A_36 = vector.shape_cast %get3A_35 : vector<1x1x128xf32> to vector<1x128xf32>
    %add3A_37 = vector.broadcast %get3A_36 : vector<1x128xf32> to vector<1000x128xf32>
    %add3A_38 = arith.addf %dot_general3A_31, %add3A_37 : vector<1000x128xf32>
    %get3A_39 = arith.constant 0 : index
    %get3A_40 = arith.constant 0 : index
    %get3A_41 = arith.constant 0 : index
    %get3A_42 = vector.load %arg6[%get3A_39, %get3A_40, %get3A_41] : memref<1x128x384xf32, #tpu.memory_space<vmem>>, vector<1x128x384xf32>
    %get3A_43 = vector.shape_cast %get3A_42 : vector<1x128x384xf32> to vector<128x384xf32>
    %convert_element_type3A_44 = arith.truncf %add3A_38 : vector<1000x128xf32> to vector<1000x128xbf16>
    %convert_element_type3A_45 = arith.truncf %get3A_43 : vector<128x384xf32> to vector<128x384xbf16>
    %dot_general3A_46 = arith.constant dense<0.000000e+00> : vector<1000x384xf32>
    %dot_general3A_47 = tpu.matmul %convert_element_type3A_44, %convert_element_type3A_45, %dot_general3A_46 {dimension_numbers = #tpu.dot_dimension_numbers<[1], [0], [0], [1], [0, 0, 1, 1], [], []>, transpose_lhs_hint = false} : vector<1000x128xbf16>, vector<128x384xbf16>, vector<1000x384xf32> -> vector<1000x384xf32>
    %get3A_48 = arith.constant 0 : index
    %get3A_49 = arith.constant 0 : index
    %get3A_50 = arith.constant 0 : index
    %get3A_51 = vector.load %arg7[%get3A_48, %get3A_49, %get3A_50] : memref<1x1x384xf32, #tpu.memory_space<vmem>>, vector<1x1x384xf32>
    %get3A_52 = vector.shape_cast %get3A_51 : vector<1x1x384xf32> to vector<1x384xf32>
    %add3A_53 = vector.broadcast %get3A_52 : vector<1x384xf32> to vector<1000x384xf32>
    %add3A_54 = arith.addf %dot_general3A_47, %add3A_53 : vector<1000x384xf32>
    %get3A_55 = arith.constant 0 : index
    %get3A_56 = arith.constant 0 : index
    %get3A_57 = arith.constant 0 : index
    %get3A_58 = vector.load %arg3[%get3A_55, %get3A_56, %get3A_57] : memref<1x1000x128xf32, #tpu.memory_space<vmem>>, vector<1x1000x128xf32>
    %get3A_59 = vector.shape_cast %get3A_58 : vector<1x1000x128xf32> to vector<1000x128xf32>
    %get3A_60 = arith.constant 0 : index
    %get3A_61 = arith.constant 0 : index
    %get3A_62 = arith.constant 0 : index
    %get3A_63 = vector.load %arg8[%get3A_60, %get3A_61, %get3A_62] : memref<1x128x384xf32, #tpu.memory_space<vmem>>, vector<1x128x384xf32>
    %get3A_64 = vector.shape_cast %get3A_63 : vector<1x128x384xf32> to vector<128x384xf32>
    %convert_element_type3A_65 = arith.truncf %get3A_59 : vector<1000x128xf32> to vector<1000x128xbf16>
    %convert_element_type3A_66 = arith.truncf %get3A_64 : vector<128x384xf32> to vector<128x384xbf16>
    %dot_general3A_67 = arith.constant dense<0.000000e+00> : vector<1000x384xf32>
    %dot_general3A_68 = tpu.matmul %convert_element_type3A_65, %convert_element_type3A_66, %dot_general3A_67 {dimension_numbers = #tpu.dot_dimension_numbers<[1], [0], [0], [1], [0, 0, 1, 1], [], []>, transpose_lhs_hint = false} : vector<1000x128xbf16>, vector<128x384xbf16>, vector<1000x384xf32> -> vector<1000x384xf32>
    %get3A_69 = arith.constant 0 : index
    %get3A_70 = arith.constant 0 : index
    %get3A_71 = arith.constant 0 : index
    %get3A_72 = vector.load %arg9[%get3A_69, %get3A_70, %get3A_71] : memref<1x1x384xf32, #tpu.memory_space<vmem>>, vector<1x1x384xf32>
    %get3A_73 = vector.shape_cast %get3A_72 : vector<1x1x384xf32> to vector<1x384xf32>
    %add3A_74 = vector.broadcast %get3A_73 : vector<1x384xf32> to vector<1000x384xf32>
    %add3A_75 = arith.addf %dot_general3A_68, %add3A_74 : vector<1000x384xf32>
    %slice3A = vector.extract_strided_slice %add3A_54 {offsets = [0, 0], sizes = [1000, 128], strides = [1, 1]} : vector<1000x384xf32> to vector<1000x128xf32>
    %slice3A_76 = vector.extract_strided_slice %add3A_75 {offsets = [0, 0], sizes = [1000, 128], strides = [1, 1]} : vector<1000x384xf32> to vector<1000x128xf32>
    %add3A_77 = arith.addf %slice3A, %slice3A_76 : vector<1000x128xf32>
    %logistic3A = arith.negf %add3A_77 : vector<1000x128xf32>
    %logistic3A_78 = math.exp %logistic3A : vector<1000x128xf32>
    %logistic3A_79 = arith.constant 1.000000e+00 : f32
    %logistic3A_80 = vector.broadcast %logistic3A_79 : f32 to vector<1000x128xf32>
    %logistic3A_81 = arith.addf %logistic3A_80, %logistic3A_78 : vector<1000x128xf32>
    %logistic3A_82 = arith.divf %logistic3A_80, %logistic3A_81 : vector<1000x128xf32>
    %slice3A_83 = vector.extract_strided_slice %add3A_54 {offsets = [0, 128], sizes = [1000, 128], strides = [1, 1]} : vector<1000x384xf32> to vector<1000x128xf32>
    %slice3A_84 = vector.extract_strided_slice %add3A_75 {offsets = [0, 128], sizes = [1000, 128], strides = [1, 1]} : vector<1000x384xf32> to vector<1000x128xf32>
    %add3A_85 = arith.addf %slice3A_83, %slice3A_84 : vector<1000x128xf32>
    %logistic3A_86 = arith.negf %add3A_85 : vector<1000x128xf32>
    %logistic3A_87 = math.exp %logistic3A_86 : vector<1000x128xf32>
    %logistic3A_88 = arith.constant 1.000000e+00 : f32
    %logistic3A_89 = vector.broadcast %logistic3A_88 : f32 to vector<1000x128xf32>
    %logistic3A_90 = arith.addf %logistic3A_89, %logistic3A_87 : vector<1000x128xf32>
    %logistic3A_91 = arith.divf %logistic3A_89, %logistic3A_90 : vector<1000x128xf32>
    %slice3A_92 = vector.extract_strided_slice %add3A_54 {offsets = [0, 256], sizes = [1000, 128], strides = [1, 1]} : vector<1000x384xf32> to vector<1000x128xf32>
    %slice3A_93 = vector.extract_strided_slice %add3A_75 {offsets = [0, 256], sizes = [1000, 128], strides = [1, 1]} : vector<1000x384xf32> to vector<1000x128xf32>
    %mul3A_94 = arith.mulf %logistic3A_82, %slice3A_93 : vector<1000x128xf32>
    %add3A_95 = arith.addf %slice3A_92, %mul3A_94 : vector<1000x128xf32>
    %tanh3A = math.tanh %add3A_95 : vector<1000x128xf32>
    %sub3A = arith.constant 1.000000e+00 : f32
    %sub3A_96 = vector.broadcast %sub3A : f32 to vector<1000x128xf32>
    %sub3A_97 = arith.subf %sub3A_96, %logistic3A_91 : vector<1000x128xf32>
    %mul3A_98 = arith.mulf %sub3A_97, %tanh3A : vector<1000x128xf32>
    %mul3A_99 = arith.mulf %logistic3A_91, %get3A_59 : vector<1000x128xf32>
    %add3A_100 = arith.addf %mul3A_98, %mul3A_99 : vector<1000x128xf32>
    %swap3A = arith.constant 0 : index
    %swap3A_101 = arith.constant 0 : index
    %swap3A_102 = vector.load %arg10[%swap3A, %swap3A_101] : memref<1000x128xf32, #tpu.memory_space<vmem>>, vector<1000x128xf32>
    tpu.vector_store %arg10[%swap3A, %swap3A_101], %add3A_100 {strides = array<i32>} : memref<1000x128xf32, #tpu.memory_space<vmem>>, vector<1000x128xf32>,
    return
  }
  func.func @transform_0(%arg0: i32) -> (i32, i32, i32) {
    %c0_i32 = arith.constant 0 : i32
    %c0_i32_0 = arith.constant 0 : i32
    %c0_i32_1 = arith.constant 0 : i32
    return %c0_i32, %arg0, %c0_i32_0 : i32, i32, i32
  }
  func.func @transform_1(%arg0: i32) -> (i32, i32, i32) {
    %c0_i32 = arith.constant 0 : i32
    %c0_i32_0 = arith.constant 0 : i32
    %c0_i32_1 = arith.constant 0 : i32
    return %c0_i32, %arg0, %c0_i32_0 : i32, i32, i32
  }
  func.func @transform_2(%arg0: i32) -> (i32, i32, i32) {
    %c0_i32 = arith.constant 0 : i32
    %c0_i32_0 = arith.constant 0 : i32
    %c0_i32_1 = arith.constant 0 : i32
    return %c0_i32, %arg0, %c0_i32_0 : i32, i32, i32
  }
  func.func @transform_3(%arg0: i32) -> (i32, i32, i32) {
    %c0_i32 = arith.constant 0 : i32
    %c0_i32_0 = arith.constant 0 : i32
    %c0_i32_1 = arith.constant 0 : i32
    %c0_i32_2 = arith.constant 0 : i32
    return %c0_i32, %c0_i32_0, %c0_i32_1 : i32, i32, i32
  }
  func.func @transform_4(%arg0: i32) -> (i32, i32, i32) {
    %c0_i32 = arith.constant 0 : i32
    %c0_i32_0 = arith.constant 0 : i32
    %c0_i32_1 = arith.constant 0 : i32
    %c0_i32_2 = arith.constant 0 : i32
    return %c0_i32, %c0_i32_0, %c0_i32_1 : i32, i32, i32
  }
  func.func @transform_5(%arg0: i32) -> (i32, i32, i32) {
    %c0_i32 = arith.constant 0 : i32
    %c0_i32_0 = arith.constant 0 : i32
    %c0_i32_1 = arith.constant 0 : i32
    %c0_i32_2 = arith.constant 0 : i32
    return %c0_i32, %c0_i32_0, %c0_i32_1 : i32, i32, i32
  }
  func.func @transform_6(%arg0: i32) -> (i32, i32, i32) {
    %c0_i32 = arith.constant 0 : i32
    %c0_i32_0 = arith.constant 0 : i32
    %c0_i32_1 = arith.constant 0 : i32
    %c0_i32_2 = arith.constant 0 : i32
    return %c0_i32, %c0_i32_0, %c0_i32_1 : i32, i32, i32
  }
  func.func @transform_7(%arg0: i32) -> (i32, i32, i32) {
    %c0_i32 = arith.constant 0 : i32
    %c0_i32_0 = arith.constant 0 : i32
    %c0_i32_1 = arith.constant 0 : i32
    %c0_i32_2 = arith.constant 0 : i32
    return %c0_i32, %c0_i32_0, %c0_i32_1 : i32, i32, i32
  }
  func.func @transform_8(%arg0: i32) -> (i32, i32, i32) {
    %c0_i32 = arith.constant 0 : i32
    %c0_i32_0 = arith.constant 0 : i32
    %c0_i32_1 = arith.constant 0 : i32
    %c0_i32_2 = arith.constant 0 : i32
    return %c0_i32, %c0_i32_0, %c0_i32_1 : i32, i32, i32
  }
  func.func @transform_9(%arg0: i32) -> (i32, i32) {
    %c0_i32 = arith.constant 0 : i32
    %c0_i32_0 = arith.constant 0 : i32
    return %arg0, %c0_i32 : i32, i32
  }
}

module attributes {stable_mosaic.version = 14 : i64} {
  func.func @_layer_body(%arg0: i32, %arg1: memref<2x1000x128xf32, #tpu.memory_space<vmem>>, %arg2: memref<2x1000x1xf32, #tpu.memory_space<vmem>>, %arg3: memref<1x1000x128xf32, #tpu.memory_space<vmem>>, %arg4: memref<1x128x128xf32, #tpu.memory_space<vmem>>, %arg5: memref<1x1x128xf32, #tpu.memory_space<vmem>>, %arg6: memref<1x128x384xf32, #tpu.memory_space<vmem>>, %arg7: memref<1x1x384xf32, #tpu.memory_space<vmem>>, %arg8: memref<1x128x384xf32, #tpu.memory_space<vmem>>, %arg9: memref<1x1x384xf32, #tpu.memory_space<vmem>>, %arg10: memref<1000x128xf32, #tpu.memory_space<vmem>>) attributes {dimension_semantics = [#tpu.dimension_semantics<arbitrary>], iteration_bounds = array<i64: 10>, scalar_prefetch = 0 : i64, scratch_operands = 0 : i64, tpu.core_type = #tpu.core_type<tc>, window_params = [{transform_indices = @transform_0, window_bounds = array<i64: 2, 1000, 128>}, {transform_indices = @transform_1, window_bounds = array<i64: 2, 1000, 1>}, {transform_indices = @transform_2, window_bounds = array<i64: 1, 1000, 128>}, {transform_indices = @transform_3, window_bounds = array<i64: 1, 128, 128>}, {transform_indices = @transform_4, window_bounds = array<i64: 1, 1, 128>}, {transform_indices = @transform_5, window_bounds = array<i64: 1, 128, 384>}, {transform_indices = @transform_6, window_bounds = array<i64: 1, 1, 384>}, {transform_indices = @transform_7, window_bounds = array<i64: 1, 128, 384>}, {transform_indices = @transform_8, window_bounds = array<i64: 1, 1, 384>}, {transform_indices = @transform_9, window_bounds = array<i64: 1000, 128>}]} {
    %get3A = arith.constant 0 : index
    %get3A_0 = arith.constant 0 : index
    %get3A_1 = arith.constant 0 : index
    %get3A_2 = vector.load %arg2[%get3A, %get3A_0, %get3A_1] : memref<2x1000x1xf32, #tpu.memory_space<vmem>>, vector<1x1000x1xf32>
    %get3A_3 = vector.shape_cast %get3A_2 : vector<1x1000x1xf32> to vector<1000x1xf32>
    %get3A_4 = arith.constant 1 : index
    %get3A_5 = arith.constant 0 : index
    %get3A_6 = arith.constant 0 : index
    %get3A_7 = vector.load %arg2[%get3A_4, %get3A_5, %get3A_6] : memref<2x1000x1xf32, #tpu.memory_space<vmem>>, vector<1x1000x1xf32>
    %get3A_8 = vector.shape_cast %get3A_7 : vector<1x1000x1xf32> to vector<1000x1xf32>
    %add3A = arith.addf %get3A_3, %get3A_8 : vector<1000x1xf32>
    %max3A = arith.constant 1.000000e+00 : f32
    %max3A_9 = vector.broadcast %max3A : f32 to vector<1000x1xf32>
    %max3A_10 = arith.maximumf %add3A, %max3A_9 : vector<1000x1xf32>
    %div3A = arith.constant 1.000000e+00 : f32
    %div3A_11 = vector.broadcast %div3A : f32 to vector<1000x1xf32>
    %div3A_12 = arith.divf %div3A_11, %max3A_10 : vector<1000x1xf32>
    %get3A_13 = arith.constant 0 : index
    %get3A_14 = arith.constant 0 : index
    %get3A_15 = arith.constant 0 : index
    %get3A_16 = vector.load %arg1[%get3A_13, %get3A_14, %get3A_15] : memref<2x1000x128xf32, #tpu.memory_space<vmem>>, vector<1x1000x128xf32>
    %get3A_17 = vector.shape_cast %get3A_16 : vector<1x1000x128xf32> to vector<1000x128xf32>
    %get3A_18 = arith.constant 1 : index
    %get3A_19 = arith.constant 0 : index
    %get3A_20 = arith.constant 0 : index
    %get3A_21 = vector.load %arg1[%get3A_18, %get3A_19, %get3A_20] : memref<2x1000x128xf32, #tpu.memory_space<vmem>>, vector<1x1000x128xf32>
    %get3A_22 = vector.shape_cast %get3A_21 : vector<1x1000x128xf32> to vector<1000x128xf32>
    %add3A_23 = arith.addf %get3A_17, %get3A_22 : vector<1000x128xf32>
    %mul3A = vector.broadcast %div3A_12 : vector<1000x1xf32> to vector<1000x128xf32>
    %mul3A_24 = arith.mulf %add3A_23, %mul3A : vector<1000x128xf32>
    %get3A_25 = arith.constant 0 : index
    %get3A_26 = arith.constant 0 : index
    %get3A_27 = arith.constant 0 : index
    %get3A_28 = vector.load %arg4[%get3A_25, %get3A_26, %get3A_27] : memref<1x128x128xf32, #tpu.memory_space<vmem>>, vector<1x128x128xf32>
    %get3A_29 = vector.shape_cast %get3A_28 : vector<1x128x128xf32> to vector<128x128xf32>
    %convert_element_type3A = arith.truncf %mul3A_24 : vector<1000x128xf32> to vector<1000x128xbf16>
    %convert_element_type3A_30 = arith.truncf %get3A_29 : vector<128x128xf32> to vector<128x128xbf16>
    %dot_general3A = arith.constant dense<0.000000e+00> : vector<1000x128xf32>
    %dot_general3A_31 = tpu.matmul %convert_element_type3A, %convert_element_type3A_30, %dot_general3A {dimension_numbers = #tpu.dot_dimension_numbers<[1], [0], [0], [1], [0, 0, 1, 1], [], []>, transpose_lhs_hint = false} : vector<1000x128xbf16>, vector<128x128xbf16>, vector<1000x128xf32> -> vector<1000x128xf32>
    %get3A_32 = arith.constant 0 : index
    %get3A_33 = arith.constant 0 : index
    %get3A_34 = arith.constant 0 : index
    %get3A_35 = vector.load %arg5[%get3A_32, %get3A_33, %get3A_34] : memref<1x1x128xf32, #tpu.memory_space<vmem>>, vector<1x1x128xf32>
    %get3A_36 = vector.shape_cast %get3A_35 : vector<1x1x128xf32> to vector<1x128xf32>
    %add3A_37 = vector.broadcast %get3A_36 : vector<1x128xf32> to vector<1000x128xf32>
    %add3A_38 = arith.addf %dot_general3A_31, %add3A_37 : vector<1000x128xf32>
    %get3A_39 = arith.constant 0 : index
    %get3A_40 = arith.constant 0 : index
    %get3A_41 = arith.constant 0 : index
    %get3A_42 = vector.load %arg6[%get3A_39, %get3A_40, %get3A_41] : memref<1x128x384xf32, #tpu.memory_space<vmem>>, vector<1x128x384xf32>
    %get3A_43 = vector.shape_cast %get3A_42 : vector<1x128x384xf32> to vector<128x384xf32>
    %convert_element_type3A_44 = arith.truncf %add3A_38 : vector<1000x128xf32> to vector<1000x128xbf16>
    %convert_element_type3A_45 = arith.truncf %get3A_43 : vector<128x384xf32> to vector<128x384xbf16>
    %dot_general3A_46 = arith.constant dense<0.000000e+00> : vector<1000x384xf32>
    %dot_general3A_47 = tpu.matmul %convert_element_type3A_44, %convert_element_type3A_45, %dot_general3A_46 {dimension_numbers = #tpu.dot_dimension_numbers<[1], [0], [0], [1], [0, 0, 1, 1], [], []>, transpose_lhs_hint = false} : vector<1000x128xbf16>, vector<128x384xbf16>, vector<1000x384xf32> -> vector<1000x384xf32>
    %get3A_48 = arith.constant 0 : index
    %get3A_49 = arith.constant 0 : index
    %get3A_50 = arith.constant 0 : index
    %get3A_51 = vector.load %arg7[%get3A_48, %get3A_49, %get3A_50] : memref<1x1x384xf32, #tpu.memory_space<vmem>>, vector<1x1x384xf32>
    %get3A_52 = vector.shape_cast %get3A_51 : vector<1x1x384xf32> to vector<1x384xf32>
    %add3A_53 = vector.broadcast %get3A_52 : vector<1x384xf32> to vector<1000x384xf32>
    %add3A_54 = arith.addf %dot_general3A_47, %add3A_53 : vector<1000x384xf32>
    %get3A_55 = arith.constant 0 : index
    %get3A_56 = arith.constant 0 : index
    %get3A_57 = arith.constant 0 : index
    %get3A_58 = vector.load %arg3[%get3A_55, %get3A_56, %get3A_57] : memref<1x1000x128xf32, #tpu.memory_space<vmem>>, vector<1x1000x128xf32>
    %get3A_59 = vector.shape_cast %get3A_58 : vector<1x1000x128xf32> to vector<1000x128xf32>
    %get3A_60 = arith.constant 0 : index
    %get3A_61 = arith.constant 0 : index
    %get3A_62 = arith.constant 0 : index
    %get3A_63 = vector.load %arg8[%get3A_60, %get3A_61, %get3A_62] : memref<1x128x384xf32, #tpu.memory_space<vmem>>, vector<1x128x384xf32>
    %get3A_64 = vector.shape_cast %get3A_63 : vector<1x128x384xf32> to vector<128x384xf32>
    %convert_element_type3A_65 = arith.truncf %get3A_59 : vector<1000x128xf32> to vector<1000x128xbf16>
    %convert_element_type3A_66 = arith.truncf %get3A_64 : vector<128x384xf32> to vector<128x384xbf16>
    %dot_general3A_67 = arith.constant dense<0.000000e+00> : vector<1000x384xf32>
    %dot_general3A_68 = tpu.matmul %convert_element_type3A_65, %convert_element_type3A_66, %dot_general3A_67 {dimension_numbers = #tpu.dot_dimension_numbers<[1], [0], [0], [1], [0, 0, 1, 1], [], []>, transpose_lhs_hint = false} : vector<1000x128xbf16>, vector<128x384xbf16>, vector<1000x384xf32> -> vector<1000x384xf32>
    %get3A_69 = arith.constant 0 : index
    %get3A_70 = arith.constant 0 : index
    %get3A_71 = arith.constant 0 : index
    %get3A_72 = vector.load %arg9[%get3A_69, %get3A_70, %get3A_71] : memref<1x1x384xf32, #tpu.memory_space<vmem>>, vector<1x1x384xf32>
    %get3A_73 = vector.shape_cast %get3A_72 : vector<1x1x384xf32> to vector<1x384xf32>
    %add3A_74 = vector.broadcast %get3A_73 : vector<1x384xf32> to vector<1000x384xf32>
    %add3A_75 = arith.addf %dot_general3A_68, %add3A_74 : vector<1000x384xf32>
    %slice3A = vector.extract_strided_slice %add3A_54 {offsets = [0, 0], sizes = [1000, 128], strides = [1, 1]} : vector<1000x384xf32> to vector<1000x128xf32>
    %slice3A_76 = vector.extract_strided_slice %add3A_75 {offsets = [0, 0], sizes = [1000, 128], strides = [1, 1]} : vector<1000x384xf32> to vector<1000x128xf32>
    %add3A_77 = arith.addf %slice3A, %slice3A_76 : vector<1000x128xf32>
    %logistic3A = arith.negf %add3A_77 : vector<1000x128xf32>
    %logistic3A_78 = math.exp %logistic3A : vector<1000x128xf32>
    %logistic3A_79 = arith.constant 1.000000e+00 : f32
    %logistic3A_80 = vector.broadcast %logistic3A_79 : f32 to vector<1000x128xf32>
    %logistic3A_81 = arith.addf %logistic3A_80, %logistic3A_78 : vector<1000x128xf32>
    %logistic3A_82 = arith.divf %logistic3A_80, %logistic3A_81 : vector<1000x128xf32>
    %slice3A_83 = vector.extract_strided_slice %add3A_54 {offsets = [0, 128], sizes = [1000, 128], strides = [1, 1]} : vector<1000x384xf32> to vector<1000x128xf32>
    %slice3A_84 = vector.extract_strided_slice %add3A_75 {offsets = [0, 128], sizes = [1000, 128], strides = [1, 1]} : vector<1000x384xf32> to vector<1000x128xf32>
    %add3A_85 = arith.addf %slice3A_83, %slice3A_84 : vector<1000x128xf32>
    %logistic3A_86 = arith.negf %add3A_85 : vector<1000x128xf32>
    %logistic3A_87 = math.exp %logistic3A_86 : vector<1000x128xf32>
    %logistic3A_88 = arith.constant 1.000000e+00 : f32
    %logistic3A_89 = vector.broadcast %logistic3A_88 : f32 to vector<1000x128xf32>
    %logistic3A_90 = arith.addf %logistic3A_89, %logistic3A_87 : vector<1000x128xf32>
    %logistic3A_91 = arith.divf %logistic3A_89, %logistic3A_90 : vector<1000x128xf32>
    %slice3A_92 = vector.extract_strided_slice %add3A_54 {offsets = [0, 256], sizes = [1000, 128], strides = [1, 1]} : vector<1000x384xf32> to vector<1000x128xf32>
    %slice3A_93 = vector.extract_strided_slice %add3A_75 {offsets = [0, 256], sizes = [1000, 128], strides = [1, 1]} : vector<1000x384xf32> to vector<1000x128xf32>
    %mul3A_94 = arith.mulf %logistic3A_82, %slice3A_93 : vector<1000x128xf32>
    %add3A_95 = arith.addf %slice3A_92, %mul3A_94 : vector<1000x128xf32>
    %tanh3A = math.tanh %add3A_95 : vector<1000x128xf32>
    %sub3A = arith.constant 1.000000e+00 : f32
    %sub3A_96 = vector.broadcast %sub3A : f32 to vector<1000x128xf32>
    %sub3A_97 = arith.subf %sub3A_96, %logistic3A_91 : vector<1000x128xf32>
    %mul3A_98 = arith.mulf %sub3A_97, %tanh3A : vector<1000x128xf32>
    %mul3A_99 = arith.mulf %logistic3A_91, %get3A_59 : vector<1000x128xf32>
    %add3A_100 = arith.addf %mul3A_98, %mul3A_99 : vector<1000x128xf32>
    %swap3A = arith.constant 0 : index
    %swap3A_101 = arith.constant 0 : index
    %swap3A_102 = vector.load %arg10[%swap3A, %swap3A_101] : memref<1000x128xf32, #tpu.memory_space<vmem>>, vector<1000x128xf32>
    tpu.vector_store %arg10[%swap3A, %swap3A_101], %add3A_100 {strides = array<i32>} : memref<1000x128xf32, #tpu.memory_space<vmem>>, vector<1000x128xf32>,
    return
  }
  func.func @transform_0(%arg0: i32) -> (i32, i32, i32) {
    %c0_i32 = arith.constant 0 : i32
    %c0_i32_0 = arith.constant 0 : i32
    %c0_i32_1 = arith.constant 0 : i32
    return %c0_i32, %arg0, %c0_i32_0 : i32, i32, i32
  }
  func.func @transform_1(%arg0: i32) -> (i32, i32, i32) {
    %c0_i32 = arith.constant 0 : i32
    %c0_i32_0 = arith.constant 0 : i32
    %c0_i32_1 = arith.constant 0 : i32
    return %c0_i32, %arg0, %c0_i32_0 : i32, i32, i32
  }
  func.func @transform_2(%arg0: i32) -> (i32, i32, i32) {
    %c1_i32 = arith.constant 1 : i32
    %c0_i32 = arith.constant 0 : i32
    %c0_i32_0 = arith.constant 0 : i32
    return %c1_i32, %arg0, %c0_i32 : i32, i32, i32
  }
  func.func @transform_3(%arg0: i32) -> (i32, i32, i32) {
    %c1_i32 = arith.constant 1 : i32
    %c0_i32 = arith.constant 0 : i32
    %c0_i32_0 = arith.constant 0 : i32
    %c0_i32_1 = arith.constant 0 : i32
    return %c1_i32, %c0_i32, %c0_i32_0 : i32, i32, i32
  }
  func.func @transform_4(%arg0: i32) -> (i32, i32, i32) {
    %c1_i32 = arith.constant 1 : i32
    %c0_i32 = arith.constant 0 : i32
    %c0_i32_0 = arith.constant 0 : i32
    %c0_i32_1 = arith.constant 0 : i32
    return %c1_i32, %c0_i32, %c0_i32_0 : i32, i32, i32
  }
  func.func @transform_5(%arg0: i32) -> (i32, i32, i32) {
    %c1_i32 = arith.constant 1 : i32
    %c0_i32 = arith.constant 0 : i32
    %c0_i32_0 = arith.constant 0 : i32
    %c0_i32_1 = arith.constant 0 : i32
    return %c1_i32, %c0_i32, %c0_i32_0 : i32, i32, i32
  }
  func.func @transform_6(%arg0: i32) -> (i32, i32, i32) {
    %c1_i32 = arith.constant 1 : i32
    %c0_i32 = arith.constant 0 : i32
    %c0_i32_0 = arith.constant 0 : i32
    %c0_i32_1 = arith.constant 0 : i32
    return %c1_i32, %c0_i32, %c0_i32_0 : i32, i32, i32
  }
  func.func @transform_7(%arg0: i32) -> (i32, i32, i32) {
    %c1_i32 = arith.constant 1 : i32
    %c0_i32 = arith.constant 0 : i32
    %c0_i32_0 = arith.constant 0 : i32
    %c0_i32_1 = arith.constant 0 : i32
    return %c1_i32, %c0_i32, %c0_i32_0 : i32, i32, i32
  }
  func.func @transform_8(%arg0: i32) -> (i32, i32, i32) {
    %c1_i32 = arith.constant 1 : i32
    %c0_i32 = arith.constant 0 : i32
    %c0_i32_0 = arith.constant 0 : i32
    %c0_i32_1 = arith.constant 0 : i32
    return %c1_i32, %c0_i32, %c0_i32_0 : i32, i32, i32
  }
  func.func @transform_9(%arg0: i32) -> (i32, i32) {
    %c0_i32 = arith.constant 0 : i32
    %c0_i32_0 = arith.constant 0 : i32
    return %arg0, %c0_i32 : i32, i32
  }
}

module attributes {stable_mosaic.version = 14 : i64} {
  func.func @_dec_body(%arg0: i32, %arg1: memref<8192x128xf32, #tpu.memory_space<vmem>>, %arg2: memref<8192x128xf32, #tpu.memory_space<vmem>>, %arg3: memref<128x128xf32, #tpu.memory_space<vmem>>, %arg4: memref<128x128xf32, #tpu.memory_space<vmem>>, %arg5: memref<1x128xf32, #tpu.memory_space<vmem>>, %arg6: memref<128x1xf32, #tpu.memory_space<vmem>>, %arg7: memref<1x1xf32, #tpu.memory_space<vmem>>, %arg8: memref<8192x1xf32, #tpu.memory_space<vmem>>) attributes {dimension_semantics = [#tpu.dimension_semantics<arbitrary>], iteration_bounds = array<i64: 8>, scalar_prefetch = 0 : i64, scratch_operands = 0 : i64, tpu.core_type = #tpu.core_type<tc>, window_params = [{transform_indices = @transform_0, window_bounds = array<i64: 8192, 128>}, {transform_indices = @transform_1, window_bounds = array<i64: 8192, 128>}, {transform_indices = @transform_2, window_bounds = array<i64: 128, 128>}, {transform_indices = @transform_3, window_bounds = array<i64: 128, 128>}, {pipeline_mode = #tpu.pipeline_mode<synchronous>, transform_indices = @transform_4, window_bounds = array<i64: 1, 128>}, {pipeline_mode = #tpu.pipeline_mode<synchronous>, transform_indices = @transform_5, window_bounds = array<i64: 128, 1>}, {pipeline_mode = #tpu.pipeline_mode<synchronous>, transform_indices = @transform_6, window_bounds = array<i64: 1, 1>}, {transform_indices = @transform_7, window_bounds = array<i64: 8192, 1>}]} {
    %get3A = arith.constant 0 : index
    %get3A_0 = arith.constant 0 : index
    %get3A_1 = vector.load %arg1[%get3A, %get3A_0] : memref<8192x128xf32, #tpu.memory_space<vmem>>, vector<8192x128xf32>
    %get3A_2 = arith.constant 0 : index
    %get3A_3 = arith.constant 0 : index
    %get3A_4 = vector.load %arg3[%get3A_2, %get3A_3] : memref<128x128xf32, #tpu.memory_space<vmem>>, vector<128x128xf32>
    %convert_element_type3A = arith.truncf %get3A_1 : vector<8192x128xf32> to vector<8192x128xbf16>
    %convert_element_type3A_5 = arith.truncf %get3A_4 : vector<128x128xf32> to vector<128x128xbf16>
    %dot_general3A = arith.constant dense<0.000000e+00> : vector<8192x128xf32>
    %dot_general3A_6 = tpu.matmul %convert_element_type3A, %convert_element_type3A_5, %dot_general3A {dimension_numbers = #tpu.dot_dimension_numbers<[1], [0], [0], [1], [0, 0, 1, 1], [], []>, transpose_lhs_hint = false} : vector<8192x128xbf16>, vector<128x128xbf16>, vector<8192x128xf32> -> vector<8192x128xf32>
    %get3A_7 = arith.constant 0 : index
    %get3A_8 = arith.constant 0 : index
    %get3A_9 = vector.load %arg2[%get3A_7, %get3A_8] : memref<8192x128xf32, #tpu.memory_space<vmem>>, vector<8192x128xf32>
    %get3A_10 = arith.constant 0 : index
    %get3A_11 = arith.constant 0 : index
    %get3A_12 = vector.load %arg4[%get3A_10, %get3A_11] : memref<128x128xf32, #tpu.memory_space<vmem>>, vector<128x128xf32>
    %convert_element_type3A_13 = arith.truncf %get3A_9 : vector<8192x128xf32> to vector<8192x128xbf16>
    %convert_element_type3A_14 = arith.truncf %get3A_12 : vector<128x128xf32> to vector<128x128xbf16>
    %dot_general3A_15 = arith.constant dense<0.000000e+00> : vector<8192x128xf32>
    %dot_general3A_16 = tpu.matmul %convert_element_type3A_13, %convert_element_type3A_14, %dot_general3A_15 {dimension_numbers = #tpu.dot_dimension_numbers<[1], [0], [0], [1], [0, 0, 1, 1], [], []>, transpose_lhs_hint = false} : vector<8192x128xbf16>, vector<128x128xbf16>, vector<8192x128xf32> -> vector<8192x128xf32>
    %add3A = arith.addf %dot_general3A_6, %dot_general3A_16 : vector<8192x128xf32>
    %get3A_17 = arith.constant 0 : index
    %get3A_18 = arith.constant 0 : index
    %get3A_19 = vector.load %arg5[%get3A_17, %get3A_18] : memref<1x128xf32, #tpu.memory_space<vmem>>, vector<1x128xf32>
    %add3A_20 = vector.broadcast %get3A_19 : vector<1x128xf32> to vector<8192x128xf32>
    %add3A_21 = arith.addf %add3A, %add3A_20 : vector<8192x128xf32>
    %max3A = arith.constant 0.000000e+00 : f32
    %max3A_22 = vector.broadcast %max3A : f32 to vector<8192x128xf32>
    %max3A_23 = arith.maximumf %add3A_21, %max3A_22 : vector<8192x128xf32>
    %get3A_24 = arith.constant 0 : index
    %get3A_25 = arith.constant 0 : index
    %get3A_26 = vector.load %arg6[%get3A_24, %get3A_25] : memref<128x1xf32, #tpu.memory_space<vmem>>, vector<128x1xf32>
    %convert_element_type3A_27 = arith.truncf %max3A_23 : vector<8192x128xf32> to vector<8192x128xbf16>
    %convert_element_type3A_28 = arith.truncf %get3A_26 : vector<128x1xf32> to vector<128x1xbf16>
    %dot_general3A_29 = arith.constant dense<0.000000e+00> : vector<8192x1xf32>
    %dot_general3A_30 = tpu.matmul %convert_element_type3A_27, %convert_element_type3A_28, %dot_general3A_29 {dimension_numbers = #tpu.dot_dimension_numbers<[1], [0], [0], [1], [0, 0, 1, 1], [], []>, transpose_lhs_hint = false} : vector<8192x128xbf16>, vector<128x1xbf16>, vector<8192x1xf32> -> vector<8192x1xf32>
    %get3A_31 = arith.constant 0 : index
    %get3A_32 = arith.constant 0 : index
    %get3A_33 = vector.load %arg7[%get3A_31, %get3A_32] : memref<1x1xf32, #tpu.memory_space<vmem>>, vector<1x1xf32>
    %add3A_34 = vector.broadcast %get3A_33 : vector<1x1xf32> to vector<8192x1xf32>
    %add3A_35 = arith.addf %dot_general3A_30, %add3A_34 : vector<8192x1xf32>
    %swap3A = arith.constant 0 : index
    %swap3A_36 = arith.constant 0 : index
    %swap3A_37 = vector.load %arg8[%swap3A, %swap3A_36] : memref<8192x1xf32, #tpu.memory_space<vmem>>, vector<8192x1xf32>
    tpu.vector_store %arg8[%swap3A, %swap3A_36], %add3A_35 {strides = array<i32>} : memref<8192x1xf32, #tpu.memory_space<vmem>>, vector<8192x1xf32>,
    return
  }
  func.func @transform_0(%arg0: i32) -> (i32, i32) {
    %c0_i32 = arith.constant 0 : i32
    %c0_i32_0 = arith.constant 0 : i32
    return %arg0, %c0_i32 : i32, i32
  }
  func.func @transform_1(%arg0: i32) -> (i32, i32) {
    %add3A = arith.constant 8 : i32
    %add3A_0 = arith.addi %arg0, %add3A : i32
    %c0_i32 = arith.constant 0 : i32
    %c0_i32_1 = arith.constant 0 : i32
    return %add3A_0, %c0_i32 : i32, i32
  }
  func.func @transform_2(%arg0: i32) -> (i32, i32) {
    %c0_i32 = arith.constant 0 : i32
    %c0_i32_0 = arith.constant 0 : i32
    %c0_i32_1 = arith.constant 0 : i32
    return %c0_i32, %c0_i32_0 : i32, i32
  }
  func.func @transform_3(%arg0: i32) -> (i32, i32) {
    %c1_i32 = arith.constant 1 : i32
    %c0_i32 = arith.constant 0 : i32
    %c0_i32_0 = arith.constant 0 : i32
    return %c1_i32, %c0_i32 : i32, i32
  }
  func.func @transform_4(%arg0: i32) -> (i32, i32) {
    %c0_i32 = arith.constant 0 : i32
    %c0_i32_0 = arith.constant 0 : i32
    %c0_i32_1 = arith.constant 0 : i32
    return %c0_i32, %c0_i32_0 : i32, i32
  }
  func.func @transform_5(%arg0: i32) -> (i32, i32) {
    %c0_i32 = arith.constant 0 : i32
    %c0_i32_0 = arith.constant 0 : i32
    %c0_i32_1 = arith.constant 0 : i32
    return %c0_i32, %c0_i32_0 : i32, i32
  }
  func.func @transform_6(%arg0: i32) -> (i32, i32) {
    %c0_i32 = arith.constant 0 : i32
    %c0_i32_0 = arith.constant 0 : i32
    %c0_i32_1 = arith.constant 0 : i32
    return %c0_i32, %c0_i32_0 : i32, i32
  }
  func.func @transform_7(%arg0: i32) -> (i32, i32) {
    %c0_i32 = arith.constant 0 : i32
    %c0_i32_0 = arith.constant 0 : i32
    return %arg0, %c0_i32 : i32, i32
  }
}

</mosaic_0001>

<sc_bundles>
// kernel: kernel.12.cloned.1.call-start
scs
__scs_entry_jumppad:
0x0: {  	(pc) =	sbr.rel $0x88, $3  }
0x1: {  	(tag) =	ssettag $0x0;
	lr =	simm.s32 $0x1  }
0x2: {  	[smem:$0x3F8E] =	sst lr;
	_ =	strace $0xD0000000  }
0x3: {  	_ = 	snop  }
0x4: {  	_ = 	snop  }
0x5: {  	_ = 	snop  }
0x6: {  	_ = 	snop  }
0x7: {  	_ = 	snop  }
__scs_overlays_trampoline_lowered:
0x8: {  	[smem:$0x3F9D] =	sst s0  }
0x9: {  	[smem:$0x3F9E] =	sst s1  }
0xa: {  	[smem:$0x3F9F] =	sst s2  }
0xb: {  	[smem:$0x3FA0] =	sst s3  }
0xc: {  	[smem:$0x3FA1] =	sst s4  }
0xd: {  	[smem:$0x3FA2] =	sst s5  }
0xe: {  	[smem:$0x3FA3] =	sst s6  }
0xf: {  	[smem:$0x3FA4] =	sst s7  }
0x10: {  	[smem:$0x3FA5] =	sst s8  }
0x11: {  	[smem:$0x3FA6] =	sst s9;
	s0 =	simm.s32 @!p0 $0x0  }
0x12: {  	s1 =	sld [smem:$0x3F8C];
	s0 =	simm.s32 @p0 $0x1  }
0x13: {  	[smem:$0x3FA7] =	sst s0;
	s0 =	simm.s32 @!p1 $0x0  }
0x14: {  	s2 =	sld [smem:$0x3F8B];
	s0 =	simm.s32 @p1 $0x1  }
0x15: {  	[smem:$0x3FA8] =	sst s0;
	s0 =	simm.s32 @!p2 $0x0  }
0x16: {  	s3 =	sld [smem:$0x3FDB];
	s0 =	simm.s32 @p2 $0x1  }
0x17: {  	s4 =	simm.s32 $0x1BF5;
	[smem:$0x3FAA] =	sst s0  }
0x18: {  	s0 =	sld [smem:$0x3F8D];
	_ =	swait.ge [sflag:s4], $0x0  }
0x19: {  	s7 =	sld [smem:$0x3F8E]  }
0x1a: {  	s8 =	sadd.s32 $0xFFFFE003, lr  }
0x1b: {  	s9 =	sadd.s32 $0xFFFFFEF7, lr;
	s5 =	simm.s32 $0xFFFFFFFF;
	p2 =	slt.u32 s8, $0xFFFFF086  }
0x1c: {  	p1 =	slt.u32 s9, $0xF7A;
	s5 =	simm.s32 @!p2 $0x0  }
0x1d: {  	s5 =	simm.s32 @p1 $0x1;
	p0 =	seq.s32 s7, s2  }
0x1e: {  	s7 =	smul.u32 @!p0 $0xF7A, s2;
	p2 =	seq.s32 @!p0 s5, $0x0  }
0x1f: {  	s9 =	smul.u32 $0xF7A, s1;
	s8 =	simm.s32 @!p0 $0x1BF5;
	p2 =	por !p2, p0  }
0x20: {  	[sflag:s8] =	ssyncset.s32 @!p0 $0xFFFFF086;
	s6 =	sadd.s32 @!p0 s3, s7;
	s7 =	simm.s32 @!p0 $0x108  }
0x21: {  	s3 =	sadd.s32 s3, s9;
	s6 =	sadd.s32 @!p0 $0x88, s6;
	s7 =	simm.s32 @p2 $0x1082  }
0x22: {  	[simem:s7], [sflag:s8] =	dma.local @!p0 [hbm:s6], $0xF7A  }
0x23: {  	s9 =	sor.u32 $0xD0000000, s2;
	s6 =	simm.s32 $0x108;
	_ =	swait.ge @!p0 [sflag:s8], $0x0  }
0x24: {  	s3 =	sadd.s32 $0x88, s3;
	s6 =	simm.s32 @!p1 $0x1082;
	[sflag:s4] =	ssyncset.s32 $0xFFFFF086  }
0x25: {  	[simem:s6], [sflag:s4] =	dma.local [hbm:s3], $0xF7A  }
0x26: {  	[smem:$0x3F8E] =	sst s1;
	(tag) =	ssettag s2;
	_ =	strace s9  }
0x27: {  	s1 =	sld [smem:$0x3F9E]  }
0x28: {  	s2 =	sld [smem:$0x3F9F]  }
0x29: {  	s4 =	sld [smem:$0x3FA1]  }
0x2a: {  	p0 =	seq.s32 s5, $0x0;
	s5 =	sld [smem:$0x3FA2]  }
0x2b: {  	s6 =	sld [smem:$0x3FA3]  }
0x2c: {  	s7 =	sld [smem:$0x3FA4]  }
0x2d: {  	s3 =	simm.s32 $0x108;
	s8 =	sld [smem:$0x3FA5]  }
0x2e: {  	s3 =	simm.s32 @!p0 $0x1082;
	s9 =	sld [smem:$0x3FA6]  }
0x2f: {  	lr =	sadd.s32 s0, s3;
	s0 =	sld [smem:$0x3F9D]  }
0x30: {  	s3 =	sld [smem:$0x3FA0]  }
0x31: {  	[smem:$0x3FA9] =	sst s10  }
0x32: {  	s10 =	sld [smem:$0x3FA7];
	_ =	sdelay $0x3  }
0x33: {  	p0 =	seq.s32 s10, $0x1;
	s10 =	sld [smem:$0x3FA9];
	_ =	sdelay $0x3  }
0x34: {  	[smem:$0x3FA9] =	sst s10  }
0x35: {  	s10 =	sld [smem:$0x3FA8];
	_ =	sdelay $0x3  }
0x36: {  	p1 =	seq.s32 s10, $0x1;
	s10 =	sld [smem:$0x3FA9];
	_ =	sdelay $0x3  }
0x37: {  	[smem:$0x3FA9] =	sst s10  }
0x38: {  	s10 =	sld [smem:$0x3FAA]  }
0x39: {  	_ = 	snop;
	(pc) =	sbr.ind lr, $3  }
0x3a: {  	_ = 	snop  }
0x3b: {  	_ = 	snop  }
0x3c: {  	p2 =	seq.s32 s10, $0x1;
	s10 =	sld [smem:$0x3FA9]  }
0x3d: {  	_ =	shalt  }
0x3e: {  	_ =	shalt  }
0x3f: {  	_ =	shalt  }
0x40: {  	_ =	shalt  }
0x41: {  	_ =	shalt  }
0x42: {  	_ =	shalt  }
0x43: {  	_ =	shalt  }
0x44: {  	_ =	shalt  }
0x45: {  	_ =	shalt  }
0x46: {  	_ =	shalt  }
0x47: {  	_ =	shalt  }
0x48: {  	_ =	shalt  }
0x49: {  	_ =	shalt  }
0x4a: {  	_ =	shalt  }
0x4b: {  	_ =	shalt  }
0x4c: {  	_ =	shalt  }
0x4d: {  	_ =	shalt  }
0x4e: {  	_ =	shalt  }
0x4f: {  	_ =	shalt  }
0x50: {  	_ =	shalt  }
0x51: {  	_ =	shalt  }
0x52: {  	_ =	shalt  }
0x53: {  	_ =	shalt  }
0x54: {  	_ =	shalt  }
0x55: {  	_ =	shalt  }
0x56: {  	_ =	shalt  }
0x57: {  	_ =	shalt  }
0x58: {  	_ =	shalt  }
0x59: {  	_ =	shalt  }
0x5a: {  	_ =	shalt  }
0x5b: {  	_ =	shalt  }
0x5c: {  	_ =	shalt  }
0x5d: {  	_ =	shalt  }
0x5e: {  	_ =	shalt  }
0x5f: {  	_ =	shalt  }
0x60: {  	_ =	shalt  }
0x61: {  	_ =	shalt  }
0x62: {  	_ =	shalt  }
0x63: {  	_ =	shalt  }
0x64: {  	_ =	shalt  }
0x65: {  	_ =	shalt  }
0x66: {  	_ =	shalt  }
0x67: {  	_ =	shalt  }
0x68: {  	_ =	shalt  }
0x69: {  	_ =	shalt  }
0x6a: {  	_ =	shalt  }
0x6b: {  	_ =	shalt  }
0x6c: {  	_ =	shalt  }
0x6d: {  	_ =	shalt  }
0x6e: {  	_ =	shalt  }
0x6f: {  	_ =	shalt  }
0x70: {  	_ =	shalt  }
0x71: {  	_ =	shalt  }
0x72: {  	_ =	shalt  }
0x73: {  	_ =	shalt  }
0x74: {  	_ =	shalt  }
0x75: {  	_ =	shalt  }
0x76: {  	_ =	shalt  }
0x77: {  	_ =	shalt  }
0x78: {  	_ =	shalt  }
0x79: {  	_ =	shalt  }
0x7a: {  	_ =	shalt  }
0x7b: {  	_ =	shalt  }
0x7c: {  	_ =	shalt  }
0x7d: {  	_ =	shalt  }
0x7e: {  	_ =	shalt  }
0x7f: {  	_ =	shalt  }
0x80: {  	_ =	shalt  }
0x81: {  	_ =	shalt  }
0x82: {  	_ =	shalt  }
0x83: {  	_ =	shalt  }
0x84: {  	_ =	shalt  }
0x85: {  	_ =	shalt  }
0x86: {  	_ =	shalt  }
0x87: {  	_ =	shalt  }
.Lfunc_end0:
.L_simem_size_0:
called_computation.1_lowered:
.L_overlay_start_0:
0x88: {  	s2 =	sld [smem:$0x3FD9]  }
0x89: {  	s3 =	sld [smem:$0x3FFE];
	_ =	sdelay $0x1  }
0x8a: {  	s1 =	srdreg.scid  }
0x8b: {  	s0 =	sand.u32 $0x1, s1  }
0x8c: {  	s16 =	sshll.u32 s0, $0xA;
	s2 =	sadd.s32 s3, s2  }
0x8d: {  	s2 =	sadd.s32 s2, s16  }
0x8e: {  	[smem:$0x3FB5] =	sst s2  }
0x8f: {  	_ = 	snop  }
0x90: {  	(tm) =	ssettm $0x1  }
0x91: {  	s17 =	sld [smem:$0x3FFB];
	_ =	sdelay $0x3  }
0x92: {  	_ =	strace s17  }
0x93: {  	s2 =	sld [smem:$0x3FFC];
	_ =	sdelay $0x3  }
0x94: {  	_ =	strace s2  }
0x95: {  	s2 =	sld [smem:$0x3FFD];
	_ =	sdelay $0x3  }
0x96: {  	_ =	strace s2  }
0x97: {  	_ =	strace $0x8FFFFFFF  }
0x98: {  	s18 =	sld [smem:$0x3FDB];
	_ =	sdelay $0x1  }
0x99: {  	s19 =	simm.s32 $_scs_section_size  }
0x9a: {  	s4 =	simm.s32 $_size__tile_overlayer_lowered;
	s5 =	simm.s32 $_tile_overlayer_lowered  }
0x9b: {  	s22 =	simm.s32 $0x1BFF;
	s21 =	sshll.u32 s5, $0x1;
	s2 =	sadd.s32 s19, s18  }
0x9c: {  	s6 =	simm.s32 $0x0;
	s20 =	sshll.u32 s4, $0x1;
	s4 =	sadd.s32 s21, s2  }
0x9d: {  	[timem:s6], [sflag:s22] =	dma.local [hbm:s4], s20  }
0x9e: {  	_ =	swait.ge [sflag:s22], s20  }
0x9f: {  	s3 =	ssub.s32 $0x0, s20;
	[sflag:s22] =	ssyncset.done $0x0  }
0xa0: {  	[sflag:s22] =	ssyncadd.s32 s3;
	_ =	sdelay $0x1  }
0xa1: {  	s23 =	simm.s32 $0x1B8B  }
0xa2: {  	_ =	swait.ge [sflag:s23], $0x1  }
0xa3: {  	[sflag:s23] =	ssyncset.done $0x0  }
0xa4: {  	s25 =	simm.s32 $0x1B8E;
	s24 =	sld [smem:$0x3FFE];
	[sflag:s23] =	ssyncadd.s32 $0xFFFFFFFF  }
0xa5: {  	s26 =	simm.s32 $execute0_lowered;
	[smem:$0x3FD2] =	sst s25  }
0xa6: {  	s4 =	sshll.u32 s26, $0x1;
	_ =	strace $0x80000049;
	[dreg:$0x1] =	wrdreg $0xFFFFFFFF  }
0xa7: {  	s28 =	simm.s32 $_size_execute0_lowered;
	s2 =	sadd.s32 s2, s4;
	[dreg:$0x0] =	wrdreg $0x0  }
0xa8: {  	s4 =	sshll.u32 s28, $0x1;
	[dreg:$0x2] =	wrdreg s2  }
0xa9: {  	[dreg:$0x3] =	wrdreg s4  }
0xaa: {  	[dreg:$0x4] =	wrdreg $0xC0  }
0xab: {  	_ =	task [dreg:s6], $0x5FFFF  }
0xac: {  	[dreg:$0x1] =	wrdreg $0xFFFFFFFF  }
0xad: {  	[dreg:$0x0] =	wrdreg $0x60  }
0xae: {  	[dreg:$0x2] =	wrdreg s24  }
0xaf: {  	[dreg:$0x3] =	wrdreg $0xA9000  }
0xb0: {  	[dreg:$0x4] =	wrdreg $0x9  }
0xb1: {  	_ =	task.clear_ibuf [dreg:s6], $0x5FFFF;
	_ =	strace $0x90000049  }
0xb2: {  	s29 =	simm.s32 $0x9;
	_ =	strace $0x8000004B  }
0xb3: {  	_ =	swait.ge [sflag:s29], $0x1  }
0xb4: {  	[sflag:s29] =	ssyncadd.s32 $0xFFFFFFFF  }
0xb5: {  	_ =	strace $0x9000004B  }
0xb6: {  	_ =	sfence  }
0xb7: {  	s30 =	sld [smem:$0x0];
	_ =	sdelay $0x2  }
0xb8: {  	s31 =	sshll.u32 s1, $0xD;
	s1 =	sshrl.u32 s1, $0x2  }
0xb9: {  	s3 =	sand.u32 $0x4000, s31;
	s1 =	sadd.s32 s1, s30  }
0xba: {  	s0 =	sor.u32 s3, s0;
	s1 =	sshll.u32 s1, $0x11  }
0xbb: {  	s0 =	sor.u32 s1, s0  }
0xbc: {  	s0 =	sadd.s32 $0x8F2B, s0  }
0xbd: {  	[sflag:s0] =	ssyncadd.remote.s32 $0x1  }
0xbe: {  	_ =	sfence.sel $0xFFFF  }
0xbf: {  	[dreg:$0x0] =	wrdreg $0xFFFFFFFF;
	(pc) =	sbr.abs _section_cstart, $3  }
0xc0: {  	[dreg:$0x1] =	wrdreg $0xFFFFFFFF  }
0xc1: {  	_ =	task.clear_ibuf [dreg:s6], $0x2FFFF;
	_ =	strace $0x9FFFFFFF  }
0xc2: {  	(tm) =	ssettm $0x7FFFFFFF  }
0xc3: {  	_ =	shalt  }
tec
execute0_lowered:
.L_overlay_start_1:
0x0: {  	(tag) =	ssettag $0x1  }
0x1: {  	s0 =	rddreg [dreg:$0x0]  }
0x2: {  	s1 =	rddreg [dreg:$0x1];
	s2 =	srdreg.scid;
	s3 =	simm.s32 $0x0  }
0x3: {  	s15 =	stileid.u32;
	s14 =	simm.s32 $0x5;
	s17 =	simm.s32 $0xA780  }
0x4: {  	s18 =	simm.s32 $0x80;
	s19 =	simm.s32 $0x2780;
	s20 =	simm.s32 $0xA800  }
0x5: {  	s21 =	simm.s32 $0x6780;
	s22 =	simm.s32 $0x3;
	s28 =	simm.s32 $0x10  }
0x6: {  	s30 =	simm.s32 $0x0;
	s2 =	sand.u32 $0x1, s2;
	s6 =	smul.u32 $0x14000, s15  }
0x7: {  	[smem:$0x7FF] =	sst s3;
	s7 =	sshll.u32 s15, $0x1;
	s8 =	smul.u32 $0x50000, s15  }
0x8: {  	s4 =	sadd.s32 $0x17A00, s0;
	s13 =	sadd.s32 $0x4000, s0;
	s9 =	smul.u32 $0x4E20, s15  }
0x9: {  	s23 =	sadd.s32 $0x3F000, s0;
	s31 =	sshll.u32 s15, $0x6;
	s5 =	smul.u32 $0x140000, s2  }
0xa: {  	_ =	strace $0x8000004A;
	s7 =	sor.u32 s2, s7;
	[dreg:$0x3] =	wrdreg s23  }
0xb: {  	s24 =	ssub.s32 $0x2, s2;
	s2 =	smul.u32 $0x2710, s2;
	s15 =	sor.u32 $0x1C05, s31  }
0xc: {  	s23 =	simm.s32 $0x1;
	s7 =	smul.u32 $0x2710, s7;
	s10 =	sshrl.u32 s24, $0x1  }
0xd: {  	s25 =	sshrl.u32 s8, $0x2;
	s6 =	sadd.s32 s6, s5;
	s11 =	ssub.s32 s24, s10  }
0xe: {  	s16 =	sadd.s32 s25, s1;
	s2 =	sadd.s32 s2, s9;
	s24 =	simm.s32 $0x4  }
0xf: {  	s25 =	simm.s32 $0x2;
	s6 =	sshrl.u32 s6, $0x3;
	s7 =	sshrl.u32 s7, $0x3  }
0x10: {  	s12 =	sadd.s32 $0x4E380, s2;
	s2 =	sadd.s32 $0x4E300, s2;
	s11 =	smax.u32 s11, $0x1  }
0x11: {  	s16 =	sshrl.u32 s16, $0x3;
	s0 =	sadd.s32 s6, s0;
	s6 =	sadd.s32 s13, s7  }
0x12: {  	s26 =	sshrl.u32 s12, $0x3;
	s29 =	sshrl.u32 s2, $0x3;
	s7 =	sadd.s32 $0x9C40, s6  }
0x13: {  	s8 =	sadd.s32 $0x9C50, s6;
	s9 =	sadd.s32 $0xA120, s6;
	s10 =	sadd.s32 $0x41800, s0  }
0x14: {  	s12 =	sadd.s32 s26, s13;
	s13 =	sadd.s32 s29, s13;
	s26 =	simm.s32 $0xA880  }
.LBB2_1:
0x15: {  	[tilespmem:s3], [sflag:$0x5] =	stream.linear.gather [hbm4b:s6+s3], $0x2710, $0x38;
	[tilespmem:$0x1E900] =	vst v63  }
0x16: {  	_ =	swait.ge [sflag:s14], $0x2710  }
0x17: {  	[sflag:s14] =	ssyncset.done $0x0  }
0x18: {  	s0 =	rddreg [dreg:$0x3];
	[sflag:s14] =	ssyncadd.s32 $0xFFFFD8F0  }
0x19: {  	[spmem:s16], [sflag:s15] =	dma.local [hbm:s0], $0x2800  }
0x1a: {  	_ =	swait.ge [sflag:s14], $0x2800  }
0x1b: {  	[sflag:s14] =	ssyncset.done $0x0  }
0x1c: {  	[sflag:s14] =	ssyncadd.s32 $0xFFFFD800  }
0x1d: {  	[bflag:$0x0] =	sbarrier.arrive $0xFFFF  }
0x1e: {  	[tilespmem:s17], [sflag:$0x3] =	stream.linear.gather [hbm4b:s7+s3], $0x80, $0x38;
	[tilespmem:$0x1E900] =	vst v63  }
0x1f: {  	_ = 	snop  }
0x20: {  	[tilespmem:s19], [sflag:$0x1] =	stream.indirect.gather [hbm4b:s4+s18], $0x80, s3, s18, $0xb8;
	[tilespmem:$0x1E900] =	vst v63  }
0x21: {  	_ = 	snop  }
0x22: {  	[tilespmem:s20], [sflag:$0x4] =	stream.linear.gather [hbm4b:s8+s3], $0x80, $0x38;
	[tilespmem:$0x1E900] =	vst v63  }
0x23: {  	_ = 	snop  }
0x24: {  	[tilespmem:s21], [sflag:$0x2] =	stream.indirect.gather [hbm4b:s4+s18], $0x80, s18, s18, $0xb8;
	[tilespmem:$0x1E900] =	vst v63  }
0x25: {  	_ =	swait.ge [sflag:s22], $0x80  }
0x26: {  	[sflag:s22] =	ssyncset.done $0x0  }
0x27: {  	[sflag:s22] =	ssyncadd.s32 $0xFFFFFF80  }
0x28: {  	_ =	swait.ge [sflag:s23], $0x4000  }
0x29: {  	[sflag:s23] =	ssyncset.done $0x0  }
0x2a: {  	[sflag:s23] =	ssyncadd.s32 $0xFFFFC000  }
0x2b: {  	[spmem:s1] =	stream.indirect.scatter.add.f32 [tilespmem:s19], [sflag:$0x5], $0x80, s17, s18, $0xb8;
	[tilespmem:$0x1E900] =	vst v63  }
0x2c: {  	_ =	swait.ge [sflag:s14], $0x4000  }
0x2d: {  	[sflag:s14] =	ssyncset.done $0x0  }
0x2e: {  	s2 =	sadd.s32 $0x0, s13;
	[sflag:s14] =	ssyncadd.s32 $0xFFFFC000  }
0x2f: {  	[tilespmem:s17], [sflag:$0x3] =	stream.linear.gather [hbm4b:s2+s3], $0x80, $0x38;
	[tilespmem:$0x1E900] =	vst v63  }
0x30: {  	s5 =	simm.s32 $0x100  }
0x31: {  	[tilespmem:s19], [sflag:$0x1] =	stream.indirect.gather [hbm4b:s4+s18], $0x80, s5, s18, $0xb8;
	[tilespmem:$0x1E900] =	vst v63  }
0x32: {  	_ =	swait.ge [sflag:s24], $0x80  }
0x33: {  	[sflag:s24] =	ssyncset.done $0x0  }
0x34: {  	[sflag:s24] =	ssyncadd.s32 $0xFFFFFF80  }
0x35: {  	_ =	swait.ge [sflag:s25], $0x4000  }
0x36: {  	[sflag:s25] =	ssyncset.done $0x0  }
0x37: {  	[sflag:s25] =	ssyncadd.s32 $0xFFFFC000  }
0x38: {  	[spmem:s1] =	stream.indirect.scatter.add.f32 [tilespmem:s21], [sflag:$0x5], $0x80, s20, s18, $0xb8;
	[tilespmem:$0x1E900] =	vst v63  }
0x39: {  	_ =	swait.ge [sflag:s14], $0x4000  }
0x3a: {  	s29 =	sadd.s32 $0x0, s12;
	s31 =	simm.s32 $0x180;
	[sflag:s14] =	ssyncset.done $0x0  }
0x3b: {  	s0 =	simm.s32 $0x20;
	s2 =	simm.s32 $0x280;
	[sflag:s14] =	ssyncadd.s32 $0xFFFFC000  }
0x3c: {  	[tilespmem:s20], [sflag:$0x4] =	stream.linear.gather [hbm4b:s29+s3], $0x80, $0x38;
	[tilespmem:$0x1E900] =	vst v63  }
.LBB2_2:
0x3d: {  	[tilespmem:s21], [sflag:$0x2] =	stream.indirect.gather [hbm4b:s4+s18], $0x80, s31, s18, $0xb8;
	[tilespmem:$0x1E900] =	vst v63  }
0x3e: {  	s29 =	smov.u32 s0;
	s31 =	smov.u32 s2  }
0x3f: {  	p0 =	sne.s32 s0, $0x4A0;
	s0 =	sadd.s32 $0x20, s0;
	_ =	swait.ge [sflag:s22], $0x80  }
0x40: {  	[sflag:s22] =	ssyncset.done $0x0  }
0x41: {  	[sflag:s22] =	ssyncadd.s32 $0xFFFFFF80  }
0x42: {  	_ =	swait.ge [sflag:s23], $0x4000  }
0x43: {  	[sflag:s23] =	ssyncset.done $0x0  }
0x44: {  	[sflag:s23] =	ssyncadd.s32 $0xFFFFC000  }
0x45: {  	[spmem:s1] =	stream.indirect.scatter.add.f32 [tilespmem:s19], [sflag:$0x5], $0x80, s17, s18, $0xb8;
	[tilespmem:$0x1E900] =	vst v63  }
0x46: {  	_ =	swait.ge [sflag:s14], $0x4000  }
0x47: {  	[sflag:s14] =	ssyncset.done $0x0  }
0x48: {  	s5 =	sadd.s32 s29, s13;
	[sflag:s14] =	ssyncadd.s32 $0xFFFFC000  }
0x49: {  	[tilespmem:s17], [sflag:$0x3] =	stream.linear.gather [hbm4b:s5+s3], $0x80, $0x38;
	[tilespmem:$0x1E900] =	vst v63  }
0x4a: {  	s5 =	sadd.s32 $0xFFFFFF80, s2  }
0x4b: {  	[tilespmem:s19], [sflag:$0x1] =	stream.indirect.gather [hbm4b:s4+s18], $0x80, s5, s18, $0xb8;
	[tilespmem:$0x1E900] =	vst v63  }
0x4c: {  	_ =	swait.ge [sflag:s24], $0x80  }
0x4d: {  	[sflag:s24] =	ssyncset.done $0x0  }
0x4e: {  	[sflag:s24] =	ssyncadd.s32 $0xFFFFFF80  }
0x4f: {  	_ =	swait.ge [sflag:s25], $0x4000  }
0x50: {  	[sflag:s25] =	ssyncset.done $0x0  }
0x51: {  	[sflag:s25] =	ssyncadd.s32 $0xFFFFC000  }
0x52: {  	[spmem:s1] =	stream.indirect.scatter.add.f32 [tilespmem:s21], [sflag:$0x5], $0x80, s20, s18, $0xb8;
	[tilespmem:$0x1E900] =	vst v63  }
.Ltmp0:
0x53: {  	_ =	swait.ge [sflag:s14], $0x4000;
	(pc) =	sbr.rel @p0 .LBB2_2-.Ltmp0, $4  }
0x54: {  	[sflag:s14] =	ssyncset.done $0x0  }
0x55: {  	s5 =	sadd.s32 s29, s12;
	[sflag:s14] =	ssyncadd.s32 $0xFFFFC000  }
0x56: {  	[tilespmem:s20], [sflag:$0x4] =	stream.linear.gather [hbm4b:s5+s3], $0x80, $0x38;
	[tilespmem:$0x1E900] =	vst v63  }
0x57: {  	s2 =	sadd.s32 $0x100, s2  }
0x58: {  	[tilespmem:s21], [sflag:$0x2] =	stream.indirect.gather [hbm4b:s4+s18], $0x80, s31, s18, $0xb8;
	[tilespmem:$0x1E900] =	vst v63  }
0x59: {  	_ =	swait.ge [sflag:s22], $0x80  }
0x5a: {  	[sflag:s22] =	ssyncset.done $0x0  }
0x5b: {  	[sflag:s22] =	ssyncadd.s32 $0xFFFFFF80  }
0x5c: {  	_ =	swait.ge [sflag:s23], $0x4000  }
0x5d: {  	[sflag:s23] =	ssyncset.done $0x0  }
0x5e: {  	[sflag:s23] =	ssyncadd.s32 $0xFFFFC000  }
0x5f: {  	[spmem:s1] =	stream.indirect.scatter.add.f32 [tilespmem:s19], [sflag:$0x5], $0x80, s17, s18, $0xb8;
	[tilespmem:$0x1E900] =	vst v63  }
0x60: {  	_ =	swait.ge [sflag:s14], $0x4000  }
0x61: {  	[sflag:s14] =	ssyncset.done $0x0  }
0x62: {  	[sflag:s14] =	ssyncadd.s32 $0xFFFFC000  }
0x63: {  	_ =	swait.ge [sflag:s24], $0x80  }
0x64: {  	[sflag:s24] =	ssyncset.done $0x0  }
0x65: {  	[sflag:s24] =	ssyncadd.s32 $0xFFFFFF80  }
0x66: {  	_ =	swait.ge [sflag:s25], $0x4000  }
0x67: {  	[sflag:s25] =	ssyncset.done $0x0  }
0x68: {  	[sflag:s25] =	ssyncadd.s32 $0xFFFFC000  }
0x69: {  	[spmem:s1] =	stream.indirect.scatter.add.f32 [tilespmem:s21], [sflag:$0x5], $0x80, s20, s18, $0xb8;
	[tilespmem:$0x1E900] =	vst v63  }
0x6a: {  	_ =	swait.ge [sflag:s14], $0x4000  }
0x6b: {  	[sflag:s14] =	ssyncset.done $0x0  }
0x6c: {  	[sflag:s14] =	ssyncadd.s32 $0xFFFFC000  }
0x6d: {  	[tilespmem:s26], [sflag:$0x5] =	stream.linear.gather [hbm4b:s9+s3], $0x10, $0x38;
	[tilespmem:$0x1E900] =	vst v63  }
0x6e: {  	_ =	swait.ge [sflag:s14], $0x10  }
0x6f: {  	[sflag:s14] =	ssyncset.done $0x0  }
0x70: {  	s0 =	simm.s32 $0x2700;
	[sflag:s14] =	ssyncadd.s32 $0xFFFFFFF0  }
0x71: {  	[tilespmem:s19], [sflag:$0x1] =	stream.indirect.gather [hbm4b:s4+s28], $0x80, s0, s28, $0xb8;
	[tilespmem:$0x1E900] =	vst v63  }
0x72: {  	_ =	swait.ge [sflag:s23], $0x800  }
0x73: {  	[sflag:s23] =	ssyncset.done $0x0  }
0x74: {  	[sflag:s23] =	ssyncadd.s32 $0xFFFFF800  }
0x75: {  	[spmem:s1] =	stream.indirect.scatter.add.f32 [tilespmem:s19], [sflag:$0x5], $0x80, s26, s28, $0xb8;
	[tilespmem:$0x1E900] =	vst v63  }
0x76: {  	_ =	swait.ge [sflag:s14], $0x800  }
0x77: {  	s30 =	sadd.s32 $0x1, s30;
	[sflag:s14] =	ssyncset.done $0x0  }
0x78: {  	p0 =	sne.s32 s30, s11;
	[sflag:s14] =	ssyncadd.s32 $0xFFFFF800  }
.Ltmp1:
0x79: {  	[bflag:$0x0] =	sbarrier.arrive $0xFFFF;
	(pc) =	sbr.rel @p0 .LBB2_1-.Ltmp1, $4  }
0x7a: {  	[hbm:s10], [sflag:s15] =	dma.local [spmem:s16], $0x2800  }
0x7b: {  	_ =	swait.ge [sflag:s14], $0x2800  }
0x7c: {  	[sflag:s14] =	ssyncset.done $0x0  }
0x7d: {  	[sflag:s14] =	ssyncadd.s32 $0xFFFFD800  }
0x7e: {  	_ =	sfence.sel $0x180000  }
0x7f: {  	[bflag:$0x0] =	sbarrier.arrive $0xFFFF  }
0x80: {  	_ =	strace $0x9000004A  }
0x81: {  	s0 =	stileid.u32;
	[bflag:$0x2] =	sbarrier.arrive $0xFFFF  }
0x82: {  	p0 =	sne.s32 s0, $0x0;
	s0 =	rddreg [dreg:$0x2]  }
0x83: {  	s0 =	sadd.s32 @!p0 $0x100000, s0  }
0x84: {  	[sflag:s0] =	ssyncadd.tile.s32 @!p0 $0x1;
	_ =	shalt  }
.Lfunc_end2:
_tile_overlayer_lowered:
.L_overlay_start_2:
0x85: {  	(tag) =	ssettag $0x2  }
0x86: {  	s0 =	rddreg [dreg:$0x0];
	s2 =	stileid.u32  }
0x87: {  	s1 =	rddreg [dreg:$0x1];
	p0 =	sne.s32 s2, $0x0  }
0x88: {  	s3 =	rddreg [dreg:$0x2];
	[bflag:$0x3] =	sbarrier.arrive $0xFFFF;
	s2 =	simm.s32 @!p0 $0x1C05  }
0x89: {  	[timem:s3], [sflag:s2] =	dma.local @!p0 [hbm:s0], s1  }
0x8a: {  	s0 =	simm.s32 @!p0 $0x5  }
0x8b: {  	_ =	swait.ge @!p0 [sflag:s0], s1  }
0x8c: {  	s1 =	ssub.s32 @!p0 $0x0, s1;
	[sflag:s0] =	ssyncset.done @!p0 $0x0  }
0x8d: {  	[sflag:s0] =	ssyncadd.s32 @!p0 s1  }
0x8e: {  	[bflag:$0x3] =	sbarrier.arrive $0xFFFF  }
0x8f: {  	_ =	shalt  }

// kernel: kernel.15.cloned.1.call-start
scs
__scs_entry_jumppad:
0x0: {  	(pc) =	sbr.rel $0x88, $3  }
0x1: {  	(tag) =	ssettag $0x0;
	lr =	simm.s32 $0x1  }
0x2: {  	[smem:$0x3F8E] =	sst lr;
	_ =	strace $0xD0000000  }
0x3: {  	_ = 	snop  }
0x4: {  	_ = 	snop  }
0x5: {  	_ = 	snop  }
0x6: {  	_ = 	snop  }
0x7: {  	_ = 	snop  }
__scs_overlays_trampoline_lowered:
0x8: {  	[smem:$0x3F9D] =	sst s0  }
0x9: {  	[smem:$0x3F9E] =	sst s1  }
0xa: {  	[smem:$0x3F9F] =	sst s2  }
0xb: {  	[smem:$0x3FA0] =	sst s3  }
0xc: {  	[smem:$0x3FA1] =	sst s4  }
0xd: {  	[smem:$0x3FA2] =	sst s5  }
0xe: {  	[smem:$0x3FA3] =	sst s6  }
0xf: {  	[smem:$0x3FA4] =	sst s7  }
0x10: {  	[smem:$0x3FA5] =	sst s8  }
0x11: {  	[smem:$0x3FA6] =	sst s9;
	s0 =	simm.s32 @!p0 $0x0  }
0x12: {  	s1 =	sld [smem:$0x3F8C];
	s0 =	simm.s32 @p0 $0x1  }
0x13: {  	[smem:$0x3FA7] =	sst s0;
	s0 =	simm.s32 @!p1 $0x0  }
0x14: {  	s2 =	sld [smem:$0x3F8B];
	s0 =	simm.s32 @p1 $0x1  }
0x15: {  	[smem:$0x3FA8] =	sst s0;
	s0 =	simm.s32 @!p2 $0x0  }
0x16: {  	s3 =	sld [smem:$0x3FDB];
	s0 =	simm.s32 @p2 $0x1  }
0x17: {  	s4 =	simm.s32 $0x1BF5;
	[smem:$0x3FAA] =	sst s0  }
0x18: {  	s0 =	sld [smem:$0x3F8D];
	_ =	swait.ge [sflag:s4], $0x0  }
0x19: {  	s7 =	sld [smem:$0x3F8E]  }
0x1a: {  	s8 =	sadd.s32 $0xFFFFE003, lr  }
0x1b: {  	s9 =	sadd.s32 $0xFFFFFEF7, lr;
	s5 =	simm.s32 $0xFFFFFFFF;
	p2 =	slt.u32 s8, $0xFFFFF086  }
0x1c: {  	p1 =	slt.u32 s9, $0xF7A;
	s5 =	simm.s32 @!p2 $0x0  }
0x1d: {  	s5 =	simm.s32 @p1 $0x1;
	p0 =	seq.s32 s7, s2  }
0x1e: {  	s7 =	smul.u32 @!p0 $0xF7A, s2;
	p2 =	seq.s32 @!p0 s5, $0x0  }
0x1f: {  	s9 =	smul.u32 $0xF7A, s1;
	s8 =	simm.s32 @!p0 $0x1BF5;
	p2 =	por !p2, p0  }
0x20: {  	[sflag:s8] =	ssyncset.s32 @!p0 $0xFFFFF086;
	s6 =	sadd.s32 @!p0 s3, s7;
	s7 =	simm.s32 @!p0 $0x108  }
0x21: {  	s3 =	sadd.s32 s3, s9;
	s6 =	sadd.s32 @!p0 $0x88, s6;
	s7 =	simm.s32 @p2 $0x1082  }
0x22: {  	[simem:s7], [sflag:s8] =	dma.local @!p0 [hbm:s6], $0xF7A  }
0x23: {  	s9 =	sor.u32 $0xD0000000, s2;
	s6 =	simm.s32 $0x108;
	_ =	swait.ge @!p0 [sflag:s8], $0x0  }
0x24: {  	s3 =	sadd.s32 $0x88, s3;
	s6 =	simm.s32 @!p1 $0x1082;
	[sflag:s4] =	ssyncset.s32 $0xFFFFF086  }
0x25: {  	[simem:s6], [sflag:s4] =	dma.local [hbm:s3], $0xF7A  }
0x26: {  	[smem:$0x3F8E] =	sst s1;
	(tag) =	ssettag s2;
	_ =	strace s9  }
0x27: {  	s1 =	sld [smem:$0x3F9E]  }
0x28: {  	s2 =	sld [smem:$0x3F9F]  }
0x29: {  	s4 =	sld [smem:$0x3FA1]  }
0x2a: {  	p0 =	seq.s32 s5, $0x0;
	s5 =	sld [smem:$0x3FA2]  }
0x2b: {  	s6 =	sld [smem:$0x3FA3]  }
0x2c: {  	s7 =	sld [smem:$0x3FA4]  }
0x2d: {  	s3 =	simm.s32 $0x108;
	s8 =	sld [smem:$0x3FA5]  }
0x2e: {  	s3 =	simm.s32 @!p0 $0x1082;
	s9 =	sld [smem:$0x3FA6]  }
0x2f: {  	lr =	sadd.s32 s0, s3;
	s0 =	sld [smem:$0x3F9D]  }
0x30: {  	s3 =	sld [smem:$0x3FA0]  }
0x31: {  	[smem:$0x3FA9] =	sst s10  }
0x32: {  	s10 =	sld [smem:$0x3FA7];
	_ =	sdelay $0x3  }
0x33: {  	p0 =	seq.s32 s10, $0x1;
	s10 =	sld [smem:$0x3FA9];
	_ =	sdelay $0x3  }
0x34: {  	[smem:$0x3FA9] =	sst s10  }
0x35: {  	s10 =	sld [smem:$0x3FA8];
	_ =	sdelay $0x3  }
0x36: {  	p1 =	seq.s32 s10, $0x1;
	s10 =	sld [smem:$0x3FA9];
	_ =	sdelay $0x3  }
0x37: {  	[smem:$0x3FA9] =	sst s10  }
0x38: {  	s10 =	sld [smem:$0x3FAA]  }
0x39: {  	_ = 	snop;
	(pc) =	sbr.ind lr, $3  }
0x3a: {  	_ = 	snop  }
0x3b: {  	_ = 	snop  }
0x3c: {  	p2 =	seq.s32 s10, $0x1;
	s10 =	sld [smem:$0x3FA9]  }
0x3d: {  	_ =	shalt  }
0x3e: {  	_ =	shalt  }
0x3f: {  	_ =	shalt  }
0x40: {  	_ =	shalt  }
0x41: {  	_ =	shalt  }
0x42: {  	_ =	shalt  }
0x43: {  	_ =	shalt  }
0x44: {  	_ =	shalt  }
0x45: {  	_ =	shalt  }
0x46: {  	_ =	shalt  }
0x47: {  	_ =	shalt  }
0x48: {  	_ =	shalt  }
0x49: {  	_ =	shalt  }
0x4a: {  	_ =	shalt  }
0x4b: {  	_ =	shalt  }
0x4c: {  	_ =	shalt  }
0x4d: {  	_ =	shalt  }
0x4e: {  	_ =	shalt  }
0x4f: {  	_ =	shalt  }
0x50: {  	_ =	shalt  }
0x51: {  	_ =	shalt  }
0x52: {  	_ =	shalt  }
0x53: {  	_ =	shalt  }
0x54: {  	_ =	shalt  }
0x55: {  	_ =	shalt  }
0x56: {  	_ =	shalt  }
0x57: {  	_ =	shalt  }
0x58: {  	_ =	shalt  }
0x59: {  	_ =	shalt  }
0x5a: {  	_ =	shalt  }
0x5b: {  	_ =	shalt  }
0x5c: {  	_ =	shalt  }
0x5d: {  	_ =	shalt  }
0x5e: {  	_ =	shalt  }
0x5f: {  	_ =	shalt  }
0x60: {  	_ =	shalt  }
0x61: {  	_ =	shalt  }
0x62: {  	_ =	shalt  }
0x63: {  	_ =	shalt  }
0x64: {  	_ =	shalt  }
0x65: {  	_ =	shalt  }
0x66: {  	_ =	shalt  }
0x67: {  	_ =	shalt  }
0x68: {  	_ =	shalt  }
0x69: {  	_ =	shalt  }
0x6a: {  	_ =	shalt  }
0x6b: {  	_ =	shalt  }
0x6c: {  	_ =	shalt  }
0x6d: {  	_ =	shalt  }
0x6e: {  	_ =	shalt  }
0x6f: {  	_ =	shalt  }
0x70: {  	_ =	shalt  }
0x71: {  	_ =	shalt  }
0x72: {  	_ =	shalt  }
0x73: {  	_ =	shalt  }
0x74: {  	_ =	shalt  }
0x75: {  	_ =	shalt  }
0x76: {  	_ =	shalt  }
0x77: {  	_ =	shalt  }
0x78: {  	_ =	shalt  }
0x79: {  	_ =	shalt  }
0x7a: {  	_ =	shalt  }
0x7b: {  	_ =	shalt  }
0x7c: {  	_ =	shalt  }
0x7d: {  	_ =	shalt  }
0x7e: {  	_ =	shalt  }
0x7f: {  	_ =	shalt  }
0x80: {  	_ =	shalt  }
0x81: {  	_ =	shalt  }
0x82: {  	_ =	shalt  }
0x83: {  	_ =	shalt  }
0x84: {  	_ =	shalt  }
0x85: {  	_ =	shalt  }
0x86: {  	_ =	shalt  }
0x87: {  	_ =	shalt  }
.Lfunc_end0:
.L_simem_size_0:
called_computation.2_lowered:
.L_overlay_start_0:
0x88: {  	s2 =	sld [smem:$0x3FD9]  }
0x89: {  	s3 =	sld [smem:$0x3FFE];
	_ =	sdelay $0x1  }
0x8a: {  	s1 =	srdreg.scid  }
0x8b: {  	s0 =	sand.u32 $0x1, s1  }
0x8c: {  	s16 =	sshll.u32 s0, $0xA;
	s2 =	sadd.s32 s3, s2  }
0x8d: {  	s2 =	sadd.s32 s2, s16  }
0x8e: {  	[smem:$0x3FB5] =	sst s2  }
0x8f: {  	_ = 	snop  }
0x90: {  	(tm) =	ssettm $0x1  }
0x91: {  	s17 =	sld [smem:$0x3FFB];
	_ =	sdelay $0x3  }
0x92: {  	_ =	strace s17  }
0x93: {  	s2 =	sld [smem:$0x3FFC];
	_ =	sdelay $0x3  }
0x94: {  	_ =	strace s2  }
0x95: {  	s2 =	sld [smem:$0x3FFD];
	_ =	sdelay $0x3  }
0x96: {  	_ =	strace s2  }
0x97: {  	_ =	strace $0x8FFFFFFF  }
0x98: {  	s18 =	sld [smem:$0x3FDB];
	_ =	sdelay $0x1  }
0x99: {  	s19 =	simm.s32 $_scs_section_size  }
0x9a: {  	s4 =	simm.s32 $_size__tile_overlayer_lowered;
	s5 =	simm.s32 $_tile_overlayer_lowered  }
0x9b: {  	s22 =	simm.s32 $0x1BFF;
	s21 =	sshll.u32 s5, $0x1;
	s2 =	sadd.s32 s19, s18  }
0x9c: {  	s6 =	simm.s32 $0x0;
	s20 =	sshll.u32 s4, $0x1;
	s4 =	sadd.s32 s21, s2  }
0x9d: {  	[timem:s6], [sflag:s22] =	dma.local [hbm:s4], s20  }
0x9e: {  	_ =	swait.ge [sflag:s22], s20  }
0x9f: {  	s3 =	ssub.s32 $0x0, s20;
	[sflag:s22] =	ssyncset.done $0x0  }
0xa0: {  	[sflag:s22] =	ssyncadd.s32 s3;
	_ =	sdelay $0x1  }
0xa1: {  	s23 =	simm.s32 $0x1B8B  }
0xa2: {  	_ =	swait.ge [sflag:s23], $0x1  }
0xa3: {  	[sflag:s23] =	ssyncset.done $0x0  }
0xa4: {  	s25 =	simm.s32 $0x1B8E;
	s24 =	sld [smem:$0x3FFE];
	[sflag:s23] =	ssyncadd.s32 $0xFFFFFFFF  }
0xa5: {  	s26 =	simm.s32 $execute0_lowered;
	[smem:$0x3FD2] =	sst s25  }
0xa6: {  	s4 =	sshll.u32 s26, $0x1;
	_ =	strace $0x8000004C;
	[dreg:$0x1] =	wrdreg $0xFFFFFFFF  }
0xa7: {  	s28 =	simm.s32 $_size_execute0_lowered;
	s2 =	sadd.s32 s2, s4;
	[dreg:$0x0] =	wrdreg $0x0  }
0xa8: {  	s4 =	sshll.u32 s28, $0x1;
	[dreg:$0x2] =	wrdreg s2  }
0xa9: {  	[dreg:$0x3] =	wrdreg s4  }
0xaa: {  	[dreg:$0x4] =	wrdreg $0xC0  }
0xab: {  	_ =	task [dreg:s6], $0x5FFFF  }
0xac: {  	[dreg:$0x1] =	wrdreg $0xFFFFFFFF  }
0xad: {  	[dreg:$0x0] =	wrdreg $0x60  }
0xae: {  	[dreg:$0x2] =	wrdreg s24  }
0xaf: {  	[dreg:$0x3] =	wrdreg $0x9  }
0xb0: {  	_ =	task.clear_ibuf [dreg:s6], $0x4FFFF;
	_ =	strace $0x9000004C  }
0xb1: {  	s29 =	simm.s32 $0x9;
	_ =	strace $0x8000004E  }
0xb2: {  	_ =	swait.ge [sflag:s29], $0x1  }
0xb3: {  	[sflag:s29] =	ssyncadd.s32 $0xFFFFFFFF  }
0xb4: {  	_ =	strace $0x9000004E  }
0xb5: {  	_ =	sfence  }
0xb6: {  	s30 =	sld [smem:$0x0];
	_ =	sdelay $0x2  }
0xb7: {  	s31 =	sshll.u32 s1, $0xD;
	s1 =	sshrl.u32 s1, $0x2  }
0xb8: {  	s3 =	sand.u32 $0x4000, s31;
	s1 =	sadd.s32 s1, s30  }
0xb9: {  	s0 =	sor.u32 s3, s0;
	s1 =	sshll.u32 s1, $0x11  }
0xba: {  	s0 =	sor.u32 s1, s0  }
0xbb: {  	s0 =	sadd.s32 $0x8F2B, s0  }
0xbc: {  	[sflag:s0] =	ssyncadd.remote.s32 $0x1  }
0xbd: {  	_ =	sfence.sel $0xFFFF  }
0xbe: {  	[dreg:$0x0] =	wrdreg $0xFFFFFFFF;
	(pc) =	sbr.abs _section_cstart, $3  }
0xbf: {  	[dreg:$0x1] =	wrdreg $0xFFFFFFFF  }
0xc0: {  	_ =	task.clear_ibuf [dreg:s6], $0x2FFFF;
	_ =	strace $0x9FFFFFFF  }
0xc1: {  	(tm) =	ssettm $0x7FFFFFFF  }
tec
execute0_lowered:
.L_overlay_start_1:
0x0: {  	(tag) =	ssettag $0x1  }
0x1: {  	s4 =	rddreg [dreg:$0x0]  }
0x2: {  	s0 =	rddreg [dreg:$0x1]  }
0x3: {  	s3 =	srdreg.scid;
	s2 =	simm.s32 $0x0;
	s1 =	stileid.u32  }
0x4: {  	s11 =	simm.s32 $0x1000;
	s12 =	simm.s32 $0x5000;
	s13 =	simm.s32 $0x1  }
0x5: {  	s14 =	simm.s32 $0x2;
	s15 =	simm.s32 $0x0;
	s7 =	sand.u32 $0x1, s3  }
0x6: {  	[smem:$0x7FF] =	sst s2;
	s28 =	sshll.u32 s1, $0xD;
	s3 =	sadd.s32 $0x4000, s4  }
0x7: {  	s9 =	sadd.s32 $0xE5800, s4;
	s30 =	sshll.u32 s1, $0x11;
	s5 =	sshll.u32 s7, $0xC  }
0x8: {  	_ =	strace $0x8000004D;
	s8 =	ssub.s32 $0x2, s7;
	s5 =	sor.u32 s5, s28  }
0x9: {  	s31 =	sshll.u32 s7, $0x10;
	s29 =	sshrl.u32 s8, $0x1;
	s6 =	sshrl.u32 s5, $0x3  }
0xa: {  	s8 =	ssub.s32 s8, s29;
	s5 =	sshll.u32 s5, $0x4;
	s6 =	sadd.s32 s6, s4  }
0xb: {  	s10 =	sadd.s32 s9, s5;
	s5 =	smax.u32 s8, $0x1;
	s8 =	sadd.s32 s30, s9  }
0xc: {  	s9 =	simm.s32 $0x3;
	s4 =	sadd.s32 $0xE1800, s6;
	s6 =	sadd.s32 $0xF000, s10  }
0xd: {  	s7 =	sadd.s32 $0xF800, s10;
	s8 =	sadd.s32 s31, s8;
	s10 =	simm.s32 $0x80  }
.LBB2_1:
0xe: {  	[tilespmem:s2], [sflag:$0x3] =	stream.linear.gather [hbm4b:s4+s2], $0x1000, $0x38;
	[tilespmem:$0x9000] =	vst v63  }
0xf: {  	_ =	swait.ge [sflag:s9], $0x1000  }
0x10: {  	[sflag:s9] =	ssyncset.done $0x0  }
0x11: {  	[sflag:s9] =	ssyncadd.s32 $0xFFFFF000  }
0x12: {  	[tilespmem:s11], [sflag:$0x1] =	stream.indirect.gather [hbm4b:s3+s10], $0x80, s2, s10, $0xb8;
	[tilespmem:$0x9000] =	vst v63  }
0x13: {  	_ = 	snop  }
0x14: {  	[tilespmem:s12], [sflag:$0x2] =	stream.indirect.gather [hbm4b:s3+s10], $0x80, s10, s10, $0xb8;
	[tilespmem:$0x9000] =	vst v63  }
0x15: {  	_ =	swait.ge [sflag:s13], $0x4000  }
0x16: {  	[sflag:s13] =	ssyncset.done $0x0  }
0x17: {  	s16 =	sadd.s32 $0x0, s8;
	[sflag:s13] =	ssyncadd.s32 $0xFFFFC000  }
0x18: {  	[hbm4b:s16+s2] =	stream.linear.scatter [tilespmem:s11], [sflag:$0x3], $0x4000, $0x38;
	[tilespmem:$0x9000] =	vst v63  }
0x19: {  	_ =	swait.ge [sflag:s9], $0x4000  }
0x1a: {  	[sflag:s9] =	ssyncset.done $0x0  }
0x1b: {  	s17 =	simm.s32 $0x100;
	[sflag:s9] =	ssyncadd.s32 $0xFFFFC000  }
0x1c: {  	[tilespmem:s11], [sflag:$0x1] =	stream.indirect.gather [hbm4b:s3+s10], $0x80, s17, s10, $0xb8;
	[tilespmem:$0x9000] =	vst v63  }
0x1d: {  	_ =	swait.ge [sflag:s14], $0x4000  }
0x1e: {  	[sflag:s14] =	ssyncset.done $0x0  }
0x1f: {  	s16 =	sadd.s32 $0x800, s16;
	[sflag:s14] =	ssyncadd.s32 $0xFFFFC000  }
0x20: {  	[hbm4b:s16+s2] =	stream.linear.scatter [tilespmem:s12], [sflag:$0x3], $0x4000, $0x38;
	[tilespmem:$0x9000] =	vst v63  }
0x21: {  	_ =	swait.ge [sflag:s9], $0x4000  }
0x22: {  	s18 =	simm.s32 $0x280;
	[sflag:s9] =	ssyncset.done $0x0  }
0x23: {  	s17 =	simm.s32 $0x1000;
	s16 =	simm.s32 $0x180;
	[sflag:s9] =	ssyncadd.s32 $0xFFFFC000  }
.LBB2_2:
0x24: {  	[tilespmem:s12], [sflag:$0x2] =	stream.indirect.gather [hbm4b:s3+s10], $0x80, s16, s10, $0xb8;
	[tilespmem:$0x9000] =	vst v63  }
0x25: {  	s19 =	smov.u32 s17;
	s16 =	smov.u32 s18  }
0x26: {  	p0 =	sne.s32 s17, $0xE000;
	s17 =	sadd.s32 $0x1000, s17;
	_ =	swait.ge [sflag:s13], $0x4000  }
0x27: {  	[sflag:s13] =	ssyncset.done $0x0  }
0x28: {  	s19 =	sadd.s32 s19, s8;
	[sflag:s13] =	ssyncadd.s32 $0xFFFFC000  }
0x29: {  	[hbm4b:s19+s2] =	stream.linear.scatter [tilespmem:s11], [sflag:$0x3], $0x4000, $0x38;
	[tilespmem:$0x9000] =	vst v63  }
0x2a: {  	_ =	swait.ge [sflag:s9], $0x4000  }
0x2b: {  	[sflag:s9] =	ssyncset.done $0x0  }
0x2c: {  	s20 =	sadd.s32 $0xFFFFFF80, s18;
	[sflag:s9] =	ssyncadd.s32 $0xFFFFC000  }
0x2d: {  	[tilespmem:s11], [sflag:$0x1] =	stream.indirect.gather [hbm4b:s3+s10], $0x80, s20, s10, $0xb8;
	[tilespmem:$0x9000] =	vst v63  }
0x2e: {  	_ =	swait.ge [sflag:s14], $0x4000  }
0x2f: {  	[sflag:s14] =	ssyncset.done $0x0  }
.Ltmp0:
0x30: {  	s19 =	sadd.s32 $0x800, s19;
	[sflag:s14] =	ssyncadd.s32 $0xFFFFC000;
	(pc) =	sbr.rel @p0 .LBB2_2-.Ltmp0, $4  }
0x31: {  	[hbm4b:s19+s2] =	stream.linear.scatter [tilespmem:s12], [sflag:$0x3], $0x4000, $0x38;
	[tilespmem:$0x9000] =	vst v63  }
0x32: {  	_ =	swait.ge [sflag:s9], $0x4000  }
0x33: {  	[sflag:s9] =	ssyncset.done $0x0  }
0x34: {  	s18 =	sadd.s32 $0x100, s18;
	[sflag:s9] =	ssyncadd.s32 $0xFFFFC000  }
0x35: {  	[tilespmem:s12], [sflag:$0x2] =	stream.indirect.gather [hbm4b:s3+s10], $0x80, s16, s10, $0xb8;
	[tilespmem:$0x9000] =	vst v63  }
0x36: {  	_ =	swait.ge [sflag:s13], $0x4000  }
0x37: {  	[sflag:s13] =	ssyncset.done $0x0  }
0x38: {  	[sflag:s13] =	ssyncadd.s32 $0xFFFFC000  }
0x39: {  	[hbm4b:s6+s2] =	stream.linear.scatter [tilespmem:s11], [sflag:$0x3], $0x4000, $0x38;
	[tilespmem:$0x9000] =	vst v63  }
0x3a: {  	_ =	swait.ge [sflag:s9], $0x4000  }
0x3b: {  	[sflag:s9] =	ssyncset.done $0x0  }
0x3c: {  	[sflag:s9] =	ssyncadd.s32 $0xFFFFC000  }
0x3d: {  	s15 =	sadd.s32 $0x1, s15;
	_ =	swait.ge [sflag:s14], $0x4000  }
0x3e: {  	p0 =	sne.s32 s15, s5;
	[sflag:s14] =	ssyncset.done $0x0  }
.Ltmp1:
0x3f: {  	[sflag:s14] =	ssyncadd.s32 $0xFFFFC000;
	(pc) =	sbr.rel @p0 .LBB2_1-.Ltmp1, $4  }
0x40: {  	[hbm4b:s7+s2] =	stream.linear.scatter [tilespmem:s12], [sflag:$0x3], $0x4000, $0x38;
	[tilespmem:$0x9000] =	vst v63  }
0x41: {  	_ =	swait.ge [sflag:s9], $0x4000  }
0x42: {  	[sflag:s9] =	ssyncset.done $0x0  }
0x43: {  	[sflag:s9] =	ssyncadd.s32 $0xFFFFC000  }
0x44: {  	_ =	sfence.sel $0x180000  }
0x45: {  	[bflag:$0x0] =	sbarrier.arrive $0xFFFF  }
0x46: {  	p0 =	sne.s32 s1, $0x0;
	_ =	strace $0x9000004D  }
0x47: {  	s0 =	sadd.s32 @!p0 $0x100000, s0;
	[bflag:$0x2] =	sbarrier.arrive $0xFFFF  }
0x48: {  	[sflag:s0] =	ssyncadd.tile.s32 @!p0 $0x1;
	_ =	shalt  }
.Lfunc_end2:
_tile_overlayer_lowered:
.L_overlay_start_2:
0x49: {  	(tag) =	ssettag $0x2  }
0x4a: {  	s0 =	rddreg [dreg:$0x0];
	s2 =	stileid.u32  }
0x4b: {  	s1 =	rddreg [dreg:$0x1];
	p0 =	sne.s32 s2, $0x0  }
0x4c: {  	s3 =	rddreg [dreg:$0x2];
	[bflag:$0x3] =	sbarrier.arrive $0xFFFF;
	s2 =	simm.s32 @!p0 $0x1C03  }
0x4d: {  	[timem:s3], [sflag:s2] =	dma.local @!p0 [hbm:s0], s1  }
0x4e: {  	s0 =	simm.s32 @!p0 $0x3  }
0x4f: {  	_ =	swait.ge @!p0 [sflag:s0], s1  }
0x50: {  	s1 =	ssub.s32 @!p0 $0x0, s1;
	[sflag:s0] =	ssyncset.done @!p0 $0x0  }
0x51: {  	[sflag:s0] =	ssyncadd.s32 @!p0 s1  }
0x52: {  	[bflag:$0x3] =	sbarrier.arrive $0xFFFF  }
0x53: {  	_ =	shalt  }

// kernel: kernel.9.cloned.1.call-start
scs
__scs_entry_jumppad:
0x0: {  	(pc) =	sbr.rel $0x88, $3  }
0x1: {  	(tag) =	ssettag $0x0;
	lr =	simm.s32 $0x1  }
0x2: {  	[smem:$0x3F8E] =	sst lr;
	_ =	strace $0xD0000000  }
0x3: {  	_ = 	snop  }
0x4: {  	_ = 	snop  }
0x5: {  	_ = 	snop  }
0x6: {  	_ = 	snop  }
0x7: {  	_ = 	snop  }
__scs_overlays_trampoline_lowered:
0x8: {  	[smem:$0x3F9D] =	sst s0  }
0x9: {  	[smem:$0x3F9E] =	sst s1  }
0xa: {  	[smem:$0x3F9F] =	sst s2  }
0xb: {  	[smem:$0x3FA0] =	sst s3  }
0xc: {  	[smem:$0x3FA1] =	sst s4  }
0xd: {  	[smem:$0x3FA2] =	sst s5  }
0xe: {  	[smem:$0x3FA3] =	sst s6  }
0xf: {  	[smem:$0x3FA4] =	sst s7  }
0x10: {  	[smem:$0x3FA5] =	sst s8  }
0x11: {  	[smem:$0x3FA6] =	sst s9;
	s0 =	simm.s32 @!p0 $0x0  }
0x12: {  	s1 =	sld [smem:$0x3F8C];
	s0 =	simm.s32 @p0 $0x1  }
0x13: {  	[smem:$0x3FA7] =	sst s0;
	s0 =	simm.s32 @!p1 $0x0  }
0x14: {  	s2 =	sld [smem:$0x3F8B];
	s0 =	simm.s32 @p1 $0x1  }
0x15: {  	[smem:$0x3FA8] =	sst s0;
	s0 =	simm.s32 @!p2 $0x0  }
0x16: {  	s3 =	sld [smem:$0x3FDB];
	s0 =	simm.s32 @p2 $0x1  }
0x17: {  	s4 =	simm.s32 $0x1BF5;
	[smem:$0x3FAA] =	sst s0  }
0x18: {  	s0 =	sld [smem:$0x3F8D];
	_ =	swait.ge [sflag:s4], $0x0  }
0x19: {  	s7 =	sld [smem:$0x3F8E]  }
0x1a: {  	s8 =	sadd.s32 $0xFFFFE003, lr  }
0x1b: {  	s9 =	sadd.s32 $0xFFFFFEF7, lr;
	s5 =	simm.s32 $0xFFFFFFFF;
	p2 =	slt.u32 s8, $0xFFFFF086  }
0x1c: {  	p1 =	slt.u32 s9, $0xF7A;
	s5 =	simm.s32 @!p2 $0x0  }
0x1d: {  	s5 =	simm.s32 @p1 $0x1;
	p0 =	seq.s32 s7, s2  }
0x1e: {  	s7 =	smul.u32 @!p0 $0xF7A, s2;
	p2 =	seq.s32 @!p0 s5, $0x0  }
0x1f: {  	s9 =	smul.u32 $0xF7A, s1;
	s8 =	simm.s32 @!p0 $0x1BF5;
	p2 =	por !p2, p0  }
0x20: {  	[sflag:s8] =	ssyncset.s32 @!p0 $0xFFFFF086;
	s6 =	sadd.s32 @!p0 s3, s7;
	s7 =	simm.s32 @!p0 $0x108  }
0x21: {  	s3 =	sadd.s32 s3, s9;
	s6 =	sadd.s32 @!p0 $0x88, s6;
	s7 =	simm.s32 @p2 $0x1082  }
0x22: {  	[simem:s7], [sflag:s8] =	dma.local @!p0 [hbm:s6], $0xF7A  }
0x23: {  	s9 =	sor.u32 $0xD0000000, s2;
	s6 =	simm.s32 $0x108;
	_ =	swait.ge @!p0 [sflag:s8], $0x0  }
0x24: {  	s3 =	sadd.s32 $0x88, s3;
	s6 =	simm.s32 @!p1 $0x1082;
	[sflag:s4] =	ssyncset.s32 $0xFFFFF086  }
0x25: {  	[simem:s6], [sflag:s4] =	dma.local [hbm:s3], $0xF7A  }
0x26: {  	[smem:$0x3F8E] =	sst s1;
	(tag) =	ssettag s2;
	_ =	strace s9  }
0x27: {  	s1 =	sld [smem:$0x3F9E]  }
0x28: {  	s2 =	sld [smem:$0x3F9F]  }
0x29: {  	s4 =	sld [smem:$0x3FA1]  }
0x2a: {  	p0 =	seq.s32 s5, $0x0;
	s5 =	sld [smem:$0x3FA2]  }
0x2b: {  	s6 =	sld [smem:$0x3FA3]  }
0x2c: {  	s7 =	sld [smem:$0x3FA4]  }
0x2d: {  	s3 =	simm.s32 $0x108;
	s8 =	sld [smem:$0x3FA5]  }
0x2e: {  	s3 =	simm.s32 @!p0 $0x1082;
	s9 =	sld [smem:$0x3FA6]  }
0x2f: {  	lr =	sadd.s32 s0, s3;
	s0 =	sld [smem:$0x3F9D]  }
0x30: {  	s3 =	sld [smem:$0x3FA0]  }
0x31: {  	[smem:$0x3FA9] =	sst s10  }
0x32: {  	s10 =	sld [smem:$0x3FA7];
	_ =	sdelay $0x3  }
0x33: {  	p0 =	seq.s32 s10, $0x1;
	s10 =	sld [smem:$0x3FA9];
	_ =	sdelay $0x3  }
0x34: {  	[smem:$0x3FA9] =	sst s10  }
0x35: {  	s10 =	sld [smem:$0x3FA8];
	_ =	sdelay $0x3  }
0x36: {  	p1 =	seq.s32 s10, $0x1;
	s10 =	sld [smem:$0x3FA9];
	_ =	sdelay $0x3  }
0x37: {  	[smem:$0x3FA9] =	sst s10  }
0x38: {  	s10 =	sld [smem:$0x3FAA]  }
0x39: {  	_ = 	snop;
	(pc) =	sbr.ind lr, $3  }
0x3a: {  	_ = 	snop  }
0x3b: {  	_ = 	snop  }
0x3c: {  	p2 =	seq.s32 s10, $0x1;
	s10 =	sld [smem:$0x3FA9]  }
0x3d: {  	_ =	shalt  }
0x3e: {  	_ =	shalt  }
0x3f: {  	_ =	shalt  }
0x40: {  	_ =	shalt  }
0x41: {  	_ =	shalt  }
0x42: {  	_ =	shalt  }
0x43: {  	_ =	shalt  }
0x44: {  	_ =	shalt  }
0x45: {  	_ =	shalt  }
0x46: {  	_ =	shalt  }
0x47: {  	_ =	shalt  }
0x48: {  	_ =	shalt  }
0x49: {  	_ =	shalt  }
0x4a: {  	_ =	shalt  }
0x4b: {  	_ =	shalt  }
0x4c: {  	_ =	shalt  }
0x4d: {  	_ =	shalt  }
0x4e: {  	_ =	shalt  }
0x4f: {  	_ =	shalt  }
0x50: {  	_ =	shalt  }
0x51: {  	_ =	shalt  }
0x52: {  	_ =	shalt  }
0x53: {  	_ =	shalt  }
0x54: {  	_ =	shalt  }
0x55: {  	_ =	shalt  }
0x56: {  	_ =	shalt  }
0x57: {  	_ =	shalt  }
0x58: {  	_ =	shalt  }
0x59: {  	_ =	shalt  }
0x5a: {  	_ =	shalt  }
0x5b: {  	_ =	shalt  }
0x5c: {  	_ =	shalt  }
0x5d: {  	_ =	shalt  }
0x5e: {  	_ =	shalt  }
0x5f: {  	_ =	shalt  }
0x60: {  	_ =	shalt  }
0x61: {  	_ =	shalt  }
0x62: {  	_ =	shalt  }
0x63: {  	_ =	shalt  }
0x64: {  	_ =	shalt  }
0x65: {  	_ =	shalt  }
0x66: {  	_ =	shalt  }
0x67: {  	_ =	shalt  }
0x68: {  	_ =	shalt  }
0x69: {  	_ =	shalt  }
0x6a: {  	_ =	shalt  }
0x6b: {  	_ =	shalt  }
0x6c: {  	_ =	shalt  }
0x6d: {  	_ =	shalt  }
0x6e: {  	_ =	shalt  }
0x6f: {  	_ =	shalt  }
0x70: {  	_ =	shalt  }
0x71: {  	_ =	shalt  }
0x72: {  	_ =	shalt  }
0x73: {  	_ =	shalt  }
0x74: {  	_ =	shalt  }
0x75: {  	_ =	shalt  }
0x76: {  	_ =	shalt  }
0x77: {  	_ =	shalt  }
0x78: {  	_ =	shalt  }
0x79: {  	_ =	shalt  }
0x7a: {  	_ =	shalt  }
0x7b: {  	_ =	shalt  }
0x7c: {  	_ =	shalt  }
0x7d: {  	_ =	shalt  }
0x7e: {  	_ =	shalt  }
0x7f: {  	_ =	shalt  }
0x80: {  	_ =	shalt  }
0x81: {  	_ =	shalt  }
0x82: {  	_ =	shalt  }
0x83: {  	_ =	shalt  }
0x84: {  	_ =	shalt  }
0x85: {  	_ =	shalt  }
0x86: {  	_ =	shalt  }
0x87: {  	_ =	shalt  }
.Lfunc_end0:
.L_simem_size_0:
called_computation_lowered:
.L_overlay_start_0:
0x88: {  	s2 =	sld [smem:$0x3FD9]  }
0x89: {  	s3 =	sld [smem:$0x3FFE];
	_ =	sdelay $0x1  }
0x8a: {  	s1 =	srdreg.scid  }
0x8b: {  	s0 =	sand.u32 $0x1, s1  }
0x8c: {  	s17 =	sshll.u32 s0, $0xA;
	s2 =	sadd.s32 s3, s2  }
0x8d: {  	s2 =	sadd.s32 s2, s17  }
0x8e: {  	[smem:$0x3FB5] =	sst s2  }
0x8f: {  	_ = 	snop  }
0x90: {  	s2 =	sld [smem:$0x3FD0];
	(tm) =	ssettm $0x1  }
0x91: {  	s18 =	sld [smem:$0x3FFB];
	_ =	sdelay $0x3  }
0x92: {  	_ =	strace s18  }
0x93: {  	s3 =	sld [smem:$0x3FFC];
	_ =	sdelay $0x3  }
0x94: {  	_ =	strace s3  }
0x95: {  	s3 =	sld [smem:$0x3FFD];
	_ =	sdelay $0x3  }
0x96: {  	_ =	strace s3  }
0x97: {  	_ =	strace $0x8FFFFFFF  }
0x98: {  	s19 =	sld [smem:$0x3FDB];
	_ =	sdelay $0x1  }
0x99: {  	s4 =	simm.s32 $_scs_section_size  }
0x9a: {  	s5 =	simm.s32 $_size__tile_overlayer_lowered;
	s6 =	simm.s32 $_tile_overlayer_lowered  }
0x9b: {  	s22 =	simm.s32 $0x1BFF;
	s21 =	sshll.u32 s6, $0x1;
	s3 =	sadd.s32 s4, s19  }
0x9c: {  	s7 =	simm.s32 $0x0;
	s20 =	sshll.u32 s5, $0x1;
	s5 =	sadd.s32 s21, s3  }
0x9d: {  	[timem:s7], [sflag:s22] =	dma.local [hbm:s5], s20  }
0x9e: {  	_ =	swait.ge [sflag:s22], s20  }
0x9f: {  	s4 =	ssub.s32 $0x0, s20;
	[sflag:s22] =	ssyncset.done $0x0  }
0xa0: {  	[sflag:s22] =	ssyncadd.s32 s4;
	_ =	sdelay $0x1  }
0xa1: {  	s23 =	simm.s32 $0x1B8B  }
0xa2: {  	_ =	swait.ge [sflag:s23], $0x1  }
0xa3: {  	[sflag:s23] =	ssyncset.done $0x0  }
0xa4: {  	s25 =	simm.s32 $0x1B8E;
	s24 =	sld [smem:$0x3FFE];
	[sflag:s23] =	ssyncadd.s32 $0xFFFFFFFF  }
0xa5: {  	s26 =	simm.s32 $execute0_lowered;
	[smem:$0x3FD2] =	sst s25  }
0xa6: {  	s5 =	sshll.u32 s26, $0x1;
	_ =	strace $0x80000046;
	[dreg:$0x1] =	wrdreg $0xFFFFFFFF  }
0xa7: {  	s28 =	simm.s32 $_size_execute0_lowered;
	s3 =	sadd.s32 s3, s5;
	[dreg:$0x0] =	wrdreg $0x0  }
0xa8: {  	s5 =	sshll.u32 s28, $0x1;
	[dreg:$0x2] =	wrdreg s3  }
0xa9: {  	[dreg:$0x3] =	wrdreg s5  }
0xaa: {  	[dreg:$0x4] =	wrdreg $0xC0  }
0xab: {  	_ =	task [dreg:s7], $0x5FFFF  }
0xac: {  	[dreg:$0x1] =	wrdreg $0xFFFFFFFF  }
0xad: {  	[dreg:$0x0] =	wrdreg $0x60  }
0xae: {  	[dreg:$0x2] =	wrdreg s24  }
0xaf: {  	[dreg:$0x3] =	wrdreg s2  }
0xb0: {  	[dreg:$0x4] =	wrdreg $0xA9000  }
0xb1: {  	[dreg:$0x5] =	wrdreg $0x1E9800  }
0xb2: {  	[dreg:$0x6] =	wrdreg $0x9  }
0xb3: {  	_ =	task.clear_ibuf [dreg:s7], $0x7FFFF;
	_ =	strace $0x90000046  }
0xb4: {  	s29 =	simm.s32 $0x9;
	_ =	strace $0x80000048  }
0xb5: {  	_ =	swait.ge [sflag:s29], $0x1  }
0xb6: {  	[sflag:s29] =	ssyncadd.s32 $0xFFFFFFFF  }
0xb7: {  	_ =	strace $0x90000048  }
0xb8: {  	_ =	sfence  }
0xb9: {  	s30 =	sld [smem:$0x0];
	_ =	sdelay $0x2  }
0xba: {  	s31 =	sshll.u32 s1, $0xD;
	s1 =	sshrl.u32 s1, $0x2  }
0xbb: {  	s3 =	sand.u32 $0x4000, s31;
	s1 =	sadd.s32 s1, s30  }
0xbc: {  	s0 =	sor.u32 s3, s0;
	s1 =	sshll.u32 s1, $0x11  }
0xbd: {  	s0 =	sor.u32 s1, s0  }
0xbe: {  	s0 =	sadd.s32 $0x8F2B, s0  }
0xbf: {  	[sflag:s0] =	ssyncadd.remote.s32 $0x1  }
0xc0: {  	_ =	sfence.sel $0xFFFF  }
0xc1: {  	[dreg:$0x0] =	wrdreg $0xFFFFFFFF;
	(pc) =	sbr.abs _section_cstart, $3  }
0xc2: {  	[dreg:$0x1] =	wrdreg $0xFFFFFFFF  }
0xc3: {  	_ =	task.clear_ibuf [dreg:s7], $0x2FFFF;
	_ =	strace $0x9FFFFFFF  }
0xc4: {  	(tm) =	ssettm $0x7FFFFFFF  }
0xc5: {  	_ =	shalt  }
tec
execute0_lowered:
.L_overlay_start_1:
0x0: {  	(tag) =	ssettag $0x1  }
0x1: {  	s0 =	rddreg [dreg:$0x0]  }
0x2: {  	s3 =	rddreg [dreg:$0x1]  }
0x3: {  	s1 =	rddreg [dreg:$0x2]  }
0x4: {  	s2 =	rddreg [dreg:$0x3];
	s4 =	simm.s32 $0x0;
	s5 =	srdreg.scid  }
0x5: {  	s19 =	stileid.u32;
	s28 =	simm.s32 $0x6780;
	s29 =	simm.s32 $0x3  }
0x6: {  	s30 =	simm.s32 $0x1;
	s31 =	simm.s32 $0x4;
	[smem:$0x7FF] =	sst s4  }
0x7: {  	s6 =	sand.u32 $0x1, s5;
	s5 =	sadd.s32 $0x17A00, s0;
	s8 =	smul.u32 $0x14000, s19  }
0x8: {  	s10 =	sadd.s32 $0x4000, s0;
	s9 =	sadd.s32 $0x3F000, s0;
	s26 =	sshll.u32 s19, $0x1  }
0x9: {  	s11 =	sadd.s32 $0x3EE00, s0;
	s12 =	sadd.s32 $0x3EC00, s0;
	s14 =	smul.u32 $0x50000, s19  }
0xa: {  	s16 =	smul.u32 $0x500, s19;
	_ =	strace $0x80000047;
	[dreg:$0x5] =	wrdreg s9  }
0xb: {  	s7 =	smul.u32 $0x140000, s6;
	[dreg:$0x6] =	wrdreg s11;
	s11 =	sor.u32 s6, s26  }
0xc: {  	[dreg:$0x7] =	wrdreg s12;
	s13 =	ssub.s32 $0x2, s6;
	s12 =	smul.u32 $0xA00, s19  }
0xd: {  	s26 =	sshll.u32 s19, $0x6;
	s15 =	sshrl.u32 s13, $0x1;
	s7 =	sadd.s32 s8, s7  }
0xe: {  	s8 =	smul.u32 $0x2710, s11;
	s11 =	sshrl.u32 s14, $0x2;
	s12 =	sshrl.u32 s12, $0x2  }
0xf: {  	s14 =	smul.u32 $0x2710, s6;
	s6 =	sshll.u32 s6, $0x7;
	s7 =	sshrl.u32 s7, $0x3  }
0x10: {  	s11 =	sadd.s32 s11, s1;
	s12 =	sadd.s32 s12, s2;
	s6 =	sor.u32 s6, s16  }
0x11: {  	s0 =	sadd.s32 s7, s0;
	s8 =	sshrl.u32 s8, $0x3;
	s7 =	ssub.s32 s13, s15  }
0x12: {  	s13 =	smul.u32 $0x4E20, s19;
	s21 =	sshrl.u32 s6, $0x3;
	s19 =	sor.u32 $0x1C05, s26  }
0x13: {  	s26 =	simm.s32 $0xA800;
	s6 =	simm.s32 $0x10;
	s9 =	sadd.s32 s10, s8  }
0x14: {  	s0 =	sadd.s32 $0x41800, s0;
	s15 =	sadd.s32 $0x9C40, s9;
	s17 =	sadd.s32 $0x9C50, s9  }
0x15: {  	s18 =	sadd.s32 $0xA120, s9;
	s20 =	sadd.s32 s14, s13;
	[dreg:$0xb] =	wrdreg s0  }
0x16: {  	s14 =	sadd.s32 s3, s21;
	s21 =	sshrl.u32 s12, $0x3;
	[dreg:$0x8] =	wrdreg s15  }
0x17: {  	s0 =	simm.s32 $0x2;
	s3 =	simm.s32 $0xA880;
	[dreg:$0x9] =	wrdreg s17  }
0x18: {  	[dreg:$0xa] =	wrdreg s18;
	s22 =	sadd.s32 $0x4E380, s20;
	s24 =	sadd.s32 $0x4E300, s20  }
0x19: {  	s15 =	smax.u32 s7, $0x1;
	s18 =	simm.s32 $0x5;
	s20 =	sshrl.u32 s11, $0x3  }
0x1a: {  	s7 =	simm.s32 $0x0;
	s23 =	sshrl.u32 s22, $0x3;
	s25 =	sshrl.u32 s24, $0x3  }
0x1b: {  	s22 =	simm.s32 $0x1E900;
	s24 =	simm.s32 $0x80;
	s16 =	sadd.s32 s23, s10  }
0x1c: {  	s17 =	sadd.s32 s25, s10;
	s23 =	simm.s32 $0xA780;
	s25 =	simm.s32 $0x2780  }
.LBB2_1:
0x1d: {  	[tilespmem:s4], [sflag:$0x5] =	stream.linear.gather [hbm4b:s9+s4], $0x2710, $0x38;
	[tilespmem:$0x1EC00] =	vst v63  }
0x1e: {  	_ =	swait.ge [sflag:s18], $0x2710  }
0x1f: {  	[sflag:s18] =	ssyncset.done $0x0  }
0x20: {  	s8 =	rddreg [dreg:$0x5];
	[sflag:s18] =	ssyncadd.s32 $0xFFFFD8F0  }
0x21: {  	[spmem:s20], [sflag:s19] =	dma.local [hbm:s8], $0x2800  }
0x22: {  	_ =	swait.ge [sflag:s18], $0x2800  }
0x23: {  	[sflag:s18] =	ssyncset.done $0x0  }
0x24: {  	s11 =	rddreg [dreg:$0x6];
	[sflag:s18] =	ssyncadd.s32 $0xFFFFD800  }
0x25: {  	[spmem:s21], [sflag:s19] =	dma.local [hbm:s11], $0x50  }
0x26: {  	_ =	swait.ge [sflag:s18], $0x50  }
0x27: {  	[sflag:s18] =	ssyncset.done $0x0  }
0x28: {  	s12 =	rddreg [dreg:$0x7];
	[sflag:s18] =	ssyncadd.s32 $0xFFFFFFB0  }
0x29: {  	[tilespmem:s22], [sflag:$0x5] =	stream.linear.gather [hbm4b:s12+s4], $0x80, $0x38;
	[tilespmem:$0x1EC00] =	vst v63  }
0x2a: {  	_ =	swait.ge [sflag:s18], $0x80  }
0x2b: {  	[sflag:s18] =	ssyncset.done $0x0  }
0x2c: {  	[sflag:s18] =	ssyncadd.s32 $0xFFFFFF80  }
0x2d: {  	[bflag:$0x0] =	sbarrier.arrive $0xFFFF  }
0x2e: {  	s13 =	rddreg [dreg:$0x8]  }
0x2f: {  	[tilespmem:s23], [sflag:$0x3] =	stream.linear.gather [hbm4b:s13+s4], $0x80, $0x38;
	[tilespmem:$0x1EC00] =	vst v63  }
0x30: {  	_ = 	snop  }
0x31: {  	[tilespmem:s25], [sflag:$0x1] =	stream.indirect.gather [hbm4b:s5+s24], $0x80, s4, s24, $0xb8;
	[tilespmem:$0x1EC00] =	vst v63  }
0x32: {  	s10 =	rddreg [dreg:$0x9]  }
0x33: {  	[tilespmem:s26], [sflag:$0x4] =	stream.linear.gather [hbm4b:s10+s4], $0x80, $0x38;
	[tilespmem:$0x1EC00] =	vst v63  }
0x34: {  	_ = 	snop  }
0x35: {  	[tilespmem:s28], [sflag:$0x2] =	stream.indirect.gather [hbm4b:s5+s24], $0x80, s24, s24, $0xb8;
	[tilespmem:$0x1EC00] =	vst v63  }
0x36: {  	_ =	swait.ge [sflag:s29], $0x80  }
0x37: {  	[sflag:s29] =	ssyncset.done $0x0  }
0x38: {  	[sflag:s29] =	ssyncadd.s32 $0xFFFFFF80  }
0x39: {  	_ =	swait.ge [sflag:s30], $0x4000  }
0x3a: {  	[sflag:s30] =	ssyncset.done $0x0  }
0x3b: {  	[sflag:s30] =	ssyncadd.s32 $0xFFFFC000  }
0x3c: {  	[spmem:s1] =	stream.indirect.scatter.add.f32 [tilespmem:s25], [sflag:$0x5], $0x80, s23, s24, $0xb8;
	[tilespmem:$0x1EC00] =	vst v63  }
0x3d: {  	_ =	swait.ge [sflag:s18], $0x4000  }
0x3e: {  	[sflag:s18] =	ssyncset.done $0x0  }
0x3f: {  	[sflag:s18] =	ssyncadd.s32 $0xFFFFC000  }
0x40: {  	[spmem:s2] =	stream.indirect.scatter.add.f32 [tilespmem:s22], [sflag:$0x5], $0x1, s23, s24, $0xb8;
	[tilespmem:$0x1EC00] =	vst v63  }
0x41: {  	_ =	swait.ge [sflag:s18], $0x80  }
0x42: {  	[sflag:s18] =	ssyncset.done $0x0  }
0x43: {  	s11 =	sadd.s32 $0x0, s17;
	[sflag:s18] =	ssyncadd.s32 $0xFFFFFF80  }
0x44: {  	[tilespmem:s23], [sflag:$0x3] =	stream.linear.gather [hbm4b:s11+s4], $0x80, $0x38;
	[tilespmem:$0x1EC00] =	vst v63  }
0x45: {  	s12 =	simm.s32 $0x100  }
0x46: {  	[tilespmem:s25], [sflag:$0x1] =	stream.indirect.gather [hbm4b:s5+s24], $0x80, s12, s24, $0xb8;
	[tilespmem:$0x1EC00] =	vst v63  }
0x47: {  	_ =	swait.ge [sflag:s31], $0x80  }
0x48: {  	[sflag:s31] =	ssyncset.done $0x0  }
0x49: {  	[sflag:s31] =	ssyncadd.s32 $0xFFFFFF80  }
0x4a: {  	_ =	swait.ge [sflag:s0], $0x4000  }
0x4b: {  	[sflag:s0] =	ssyncset.done $0x0  }
0x4c: {  	[sflag:s0] =	ssyncadd.s32 $0xFFFFC000  }
0x4d: {  	[spmem:s1] =	stream.indirect.scatter.add.f32 [tilespmem:s28], [sflag:$0x5], $0x80, s26, s24, $0xb8;
	[tilespmem:$0x1EC00] =	vst v63  }
0x4e: {  	_ =	swait.ge [sflag:s18], $0x4000  }
0x4f: {  	[sflag:s18] =	ssyncset.done $0x0  }
0x50: {  	[sflag:s18] =	ssyncadd.s32 $0xFFFFC000  }
0x51: {  	[spmem:s2] =	stream.indirect.scatter.add.f32 [tilespmem:s22], [sflag:$0x5], $0x1, s26, s24, $0xb8;
	[tilespmem:$0x1EC00] =	vst v63  }
0x52: {  	_ =	swait.ge [sflag:s18], $0x80  }
0x53: {  	s8 =	simm.s32 $0x180;
	s13 =	sadd.s32 $0x0, s16;
	[sflag:s18] =	ssyncset.done $0x0  }
0x54: {  	s10 =	simm.s32 $0x20;
	s11 =	simm.s32 $0x280;
	[sflag:s18] =	ssyncadd.s32 $0xFFFFFF80  }
0x55: {  	[tilespmem:s26], [sflag:$0x4] =	stream.linear.gather [hbm4b:s13+s4], $0x80, $0x38;
	[tilespmem:$0x1EC00] =	vst v63  }
.LBB2_2:
0x56: {  	[tilespmem:s28], [sflag:$0x2] =	stream.indirect.gather [hbm4b:s5+s24], $0x80, s8, s24, $0xb8;
	[tilespmem:$0x1EC00] =	vst v63  }
0x57: {  	s12 =	smov.u32 s10;
	s8 =	smov.u32 s11  }
0x58: {  	p0 =	sne.s32 s10, $0x4A0;
	s10 =	sadd.s32 $0x20, s10;
	_ =	swait.ge [sflag:s29], $0x80  }
0x59: {  	[sflag:s29] =	ssyncset.done $0x0  }
0x5a: {  	[sflag:s29] =	ssyncadd.s32 $0xFFFFFF80  }
0x5b: {  	_ =	swait.ge [sflag:s30], $0x4000  }
0x5c: {  	[sflag:s30] =	ssyncset.done $0x0  }
0x5d: {  	[sflag:s30] =	ssyncadd.s32 $0xFFFFC000  }
0x5e: {  	[spmem:s1] =	stream.indirect.scatter.add.f32 [tilespmem:s25], [sflag:$0x5], $0x80, s23, s24, $0xb8;
	[tilespmem:$0x1EC00] =	vst v63  }
0x5f: {  	_ =	swait.ge [sflag:s18], $0x4000  }
0x60: {  	[sflag:s18] =	ssyncset.done $0x0  }
0x61: {  	[sflag:s18] =	ssyncadd.s32 $0xFFFFC000  }
0x62: {  	[spmem:s2] =	stream.indirect.scatter.add.f32 [tilespmem:s22], [sflag:$0x5], $0x1, s23, s24, $0xb8;
	[tilespmem:$0x1EC00] =	vst v63  }
0x63: {  	_ =	swait.ge [sflag:s18], $0x80  }
0x64: {  	[sflag:s18] =	ssyncset.done $0x0  }
0x65: {  	s13 =	sadd.s32 s12, s17;
	[sflag:s18] =	ssyncadd.s32 $0xFFFFFF80  }
0x66: {  	[tilespmem:s23], [sflag:$0x3] =	stream.linear.gather [hbm4b:s13+s4], $0x80, $0x38;
	[tilespmem:$0x1EC00] =	vst v63  }
0x67: {  	s13 =	sadd.s32 $0xFFFFFF80, s11  }
0x68: {  	[tilespmem:s25], [sflag:$0x1] =	stream.indirect.gather [hbm4b:s5+s24], $0x80, s13, s24, $0xb8;
	[tilespmem:$0x1EC00] =	vst v63  }
0x69: {  	_ =	swait.ge [sflag:s31], $0x80  }
0x6a: {  	[sflag:s31] =	ssyncset.done $0x0  }
0x6b: {  	[sflag:s31] =	ssyncadd.s32 $0xFFFFFF80  }
0x6c: {  	_ =	swait.ge [sflag:s0], $0x4000  }
0x6d: {  	[sflag:s0] =	ssyncset.done $0x0  }
0x6e: {  	[sflag:s0] =	ssyncadd.s32 $0xFFFFC000  }
0x6f: {  	[spmem:s1] =	stream.indirect.scatter.add.f32 [tilespmem:s28], [sflag:$0x5], $0x80, s26, s24, $0xb8;
	[tilespmem:$0x1EC00] =	vst v63  }
0x70: {  	_ =	swait.ge [sflag:s18], $0x4000  }
0x71: {  	[sflag:s18] =	ssyncset.done $0x0  }
0x72: {  	[sflag:s18] =	ssyncadd.s32 $0xFFFFC000  }
0x73: {  	[spmem:s2] =	stream.indirect.scatter.add.f32 [tilespmem:s22], [sflag:$0x5], $0x1, s26, s24, $0xb8;
	[tilespmem:$0x1EC00] =	vst v63  }
.Ltmp0:
0x74: {  	_ =	swait.ge [sflag:s18], $0x80;
	(pc) =	sbr.rel @p0 .LBB2_2-.Ltmp0, $4  }
0x75: {  	[sflag:s18] =	ssyncset.done $0x0  }
0x76: {  	s12 =	sadd.s32 s12, s16;
	[sflag:s18] =	ssyncadd.s32 $0xFFFFFF80  }
0x77: {  	[tilespmem:s26], [sflag:$0x4] =	stream.linear.gather [hbm4b:s12+s4], $0x80, $0x38;
	[tilespmem:$0x1EC00] =	vst v63  }
0x78: {  	s11 =	sadd.s32 $0x100, s11  }
0x79: {  	[tilespmem:s28], [sflag:$0x2] =	stream.indirect.gather [hbm4b:s5+s24], $0x80, s8, s24, $0xb8;
	[tilespmem:$0x1EC00] =	vst v63  }
0x7a: {  	_ =	swait.ge [sflag:s29], $0x80  }
0x7b: {  	[sflag:s29] =	ssyncset.done $0x0  }
0x7c: {  	[sflag:s29] =	ssyncadd.s32 $0xFFFFFF80  }
0x7d: {  	_ =	swait.ge [sflag:s30], $0x4000  }
0x7e: {  	[sflag:s30] =	ssyncset.done $0x0  }
0x7f: {  	[sflag:s30] =	ssyncadd.s32 $0xFFFFC000  }
0x80: {  	[spmem:s1] =	stream.indirect.scatter.add.f32 [tilespmem:s25], [sflag:$0x5], $0x80, s23, s24, $0xb8;
	[tilespmem:$0x1EC00] =	vst v63  }
0x81: {  	_ =	swait.ge [sflag:s18], $0x4000  }
0x82: {  	[sflag:s18] =	ssyncset.done $0x0  }
0x83: {  	[sflag:s18] =	ssyncadd.s32 $0xFFFFC000  }
0x84: {  	[spmem:s2] =	stream.indirect.scatter.add.f32 [tilespmem:s22], [sflag:$0x5], $0x1, s23, s24, $0xb8;
	[tilespmem:$0x1EC00] =	vst v63  }
0x85: {  	_ =	swait.ge [sflag:s18], $0x80  }
0x86: {  	[sflag:s18] =	ssyncset.done $0x0  }
0x87: {  	[sflag:s18] =	ssyncadd.s32 $0xFFFFFF80  }
0x88: {  	_ =	swait.ge [sflag:s31], $0x80  }
0x89: {  	[sflag:s31] =	ssyncset.done $0x0  }
0x8a: {  	[sflag:s31] =	ssyncadd.s32 $0xFFFFFF80  }
0x8b: {  	_ =	swait.ge [sflag:s0], $0x4000  }
0x8c: {  	[sflag:s0] =	ssyncset.done $0x0  }
0x8d: {  	[sflag:s0] =	ssyncadd.s32 $0xFFFFC000  }
0x8e: {  	[spmem:s1] =	stream.indirect.scatter.add.f32 [tilespmem:s28], [sflag:$0x5], $0x80, s26, s24, $0xb8;
	[tilespmem:$0x1EC00] =	vst v63  }
0x8f: {  	_ =	swait.ge [sflag:s18], $0x4000  }
0x90: {  	[sflag:s18] =	ssyncset.done $0x0  }
0x91: {  	[sflag:s18] =	ssyncadd.s32 $0xFFFFC000  }
0x92: {  	[spmem:s2] =	stream.indirect.scatter.add.f32 [tilespmem:s22], [sflag:$0x5], $0x1, s26, s24, $0xb8;
	[tilespmem:$0x1EC00] =	vst v63  }
0x93: {  	_ =	swait.ge [sflag:s18], $0x80  }
0x94: {  	[sflag:s18] =	ssyncset.done $0x0  }
0x95: {  	s10 =	rddreg [dreg:$0xa];
	[sflag:s18] =	ssyncadd.s32 $0xFFFFFF80  }
0x96: {  	[tilespmem:s3], [sflag:$0x5] =	stream.linear.gather [hbm4b:s10+s4], $0x10, $0x38;
	[tilespmem:$0x1EC00] =	vst v63  }
0x97: {  	_ =	swait.ge [sflag:s18], $0x10  }
0x98: {  	[sflag:s18] =	ssyncset.done $0x0  }
0x99: {  	s11 =	simm.s32 $0x2700;
	[sflag:s18] =	ssyncadd.s32 $0xFFFFFFF0  }
0x9a: {  	[tilespmem:s25], [sflag:$0x1] =	stream.indirect.gather [hbm4b:s5+s6], $0x80, s11, s6, $0xb8;
	[tilespmem:$0x1EC00] =	vst v63  }
0x9b: {  	_ =	swait.ge [sflag:s30], $0x800  }
0x9c: {  	[sflag:s30] =	ssyncset.done $0x0  }
0x9d: {  	[sflag:s30] =	ssyncadd.s32 $0xFFFFF800  }
0x9e: {  	[spmem:s1] =	stream.indirect.scatter.add.f32 [tilespmem:s25], [sflag:$0x5], $0x80, s3, s6, $0xb8;
	[tilespmem:$0x1EC00] =	vst v63  }
0x9f: {  	_ =	swait.ge [sflag:s18], $0x800  }
0xa0: {  	[sflag:s18] =	ssyncset.done $0x0  }
0xa1: {  	[sflag:s18] =	ssyncadd.s32 $0xFFFFF800  }
0xa2: {  	[spmem:s2] =	stream.indirect.scatter.add.f32 [tilespmem:s22], [sflag:$0x5], $0x1, s3, s6, $0xb8;
	[tilespmem:$0x1EC00] =	vst v63  }
0xa3: {  	_ =	swait.ge [sflag:s18], $0x10  }
0xa4: {  	[sflag:s18] =	ssyncset.done $0x0  }
0xa5: {  	[sflag:s18] =	ssyncadd.s32 $0xFFFFFFF0  }
0xa6: {  	[bflag:$0x0] =	sbarrier.arrive $0xFFFF  }
0xa7: {  	s12 =	rddreg [dreg:$0xb]  }
0xa8: {  	[hbm:s12], [sflag:s19] =	dma.local [spmem:s20], $0x2800  }
0xa9: {  	s7 =	sadd.s32 $0x1, s7;
	_ =	swait.ge [sflag:s18], $0x2800  }
0xaa: {  	p0 =	sne.s32 s7, s15;
	[sflag:s18] =	ssyncset.done $0x0  }
.Ltmp1:
0xab: {  	s13 =	simm.s32 $0x20;
	[sflag:s18] =	ssyncadd.s32 $0xFFFFD800;
	(pc) =	sbr.rel @p0 .LBB2_1-.Ltmp1, $4  }
0xac: {  	[hbm:s14@s13], [sflag:s19] =	dma.strided [spmem:s21@s6], $0x50, s30, $0x10   }
0xad: {  	_ =	swait.ge [sflag:s18], $0x50  }
0xae: {  	[sflag:s18] =	ssyncset.done $0x0  }
0xaf: {  	[sflag:s18] =	ssyncadd.s32 $0xFFFFFFB0  }
0xb0: {  	_ =	sfence.sel $0x180000  }
0xb1: {  	[bflag:$0x0] =	sbarrier.arrive $0xFFFF  }
0xb2: {  	_ =	strace $0x90000047  }
0xb3: {  	s0 =	stileid.u32;
	[bflag:$0x2] =	sbarrier.arrive $0xFFFF  }
0xb4: {  	p0 =	sne.s32 s0, $0x0;
	s0 =	rddreg [dreg:$0x4]  }
0xb5: {  	s0 =	sadd.s32 @!p0 $0x100000, s0  }
0xb6: {  	[sflag:s0] =	ssyncadd.tile.s32 @!p0 $0x1;
	_ =	shalt  }
.Lfunc_end2:
_tile_overlayer_lowered:
.L_overlay_start_2:
0xb7: {  	(tag) =	ssettag $0x2  }
0xb8: {  	s0 =	rddreg [dreg:$0x0];
	s2 =	stileid.u32  }
0xb9: {  	s1 =	rddreg [dreg:$0x1];
	p0 =	sne.s32 s2, $0x0  }
0xba: {  	s3 =	rddreg [dreg:$0x2];
	[bflag:$0x3] =	sbarrier.arrive $0xFFFF;
	s2 =	simm.s32 @!p0 $0x1C05  }
0xbb: {  	[timem:s3], [sflag:s2] =	dma.local @!p0 [hbm:s0], s1  }
0xbc: {  	s0 =	simm.s32 @!p0 $0x5  }
0xbd: {  	_ =	swait.ge @!p0 [sflag:s0], s1  }
0xbe: {  	s1 =	ssub.s32 @!p0 $0x0, s1;
	[sflag:s0] =	ssyncset.done @!p0 $0x0  }
0xbf: {  	[sflag:s0] =	ssyncadd.s32 @!p0 s1  }
0xc0: {  	[bflag:$0x3] =	sbarrier.arrive $0xFFFF  }
0xc1: {  	_ =	shalt  }

</sc_bundles>
